<compile_context>
chip_gen: v7x
topology: tpu7x:2x2x1
jax: 0.10.2.dev20260603
libtpu: 0.0.44.dev20260713+nightly
codegen_flags: <defaults>
</compile_context>

<pallas_src>
import jax
import jax.numpy as jnp
from jax import lax
from jax.experimental import pallas as pl
from jax.experimental.pallas import tpu as pltpu
from jax.experimental.pallas import tpu_sc as plsc

N_TAB = 1000
BATCH = 16384
LANES = 16
NUM_WORKERS = 32
B_PER_W = BATCH // NUM_WORKERS
CHUNK = 128
N_CHUNKS = B_PER_W // CHUNK
ITERS = B_PER_W // LANES
GRP = CHUNK // LANES


def _sc_body(ia_hbm, ib_hbm, ic_hbm, wa_hbm, wb_hbm, wc_hbm, wab_hbm, wcb_hbm,
             out_hbm,
             idxa_v, idxb_v, idxc_v, iab_v, icb_v, pab_v, pcb_v,
             t1_v, t2_v, wa_v, wb_v, wc_v, out_v, sem_i, sem_t,
             sem_s0, sem_s1, sem_s2, sem_s3):
    nc = 2
    wid = lax.axis_index("s") * nc + lax.axis_index("c")
    base = wid * B_PER_W

    hi = [pltpu.async_copy(ia_hbm.at[pl.ds(base, B_PER_W)], idxa_v, sem_i),
          pltpu.async_copy(ib_hbm.at[pl.ds(base, B_PER_W)], idxb_v, sem_i),
          pltpu.async_copy(ic_hbm.at[pl.ds(base, B_PER_W)], idxc_v, sem_i)]
    ht = [pltpu.async_copy(wa_hbm, wa_v, sem_t),
          pltpu.async_copy(wb_hbm, wb_v, sem_t),
          pltpu.async_copy(wc_hbm, wc_v, sem_t)]
    for h in hi:
        h.wait()

    sem_c = [sem_s0, sem_s1, sem_s2, sem_s3]
    hs = []
    for j in range(N_CHUNKS):
        @pl.loop(0, GRP, unroll=2)
        def _pass0(g, j=j):
            o = j * CHUNK + g * LANES
            a = idxa_v[pl.ds(o, LANES)]
            b = idxb_v[pl.ds(o, LANES)]
            c = idxc_v[pl.ds(o, LANES)]
            iab_v[j, pl.ds(g * LANES, LANES)] = a * N_TAB + b
            icb_v[j, pl.ds(g * LANES, LANES)] = c * N_TAB + a
        hs.append((
            pltpu.async_copy(wab_hbm.at[iab_v.at[j]], pab_v.at[j], sem_c[j]),
            pltpu.async_copy(wcb_hbm.at[icb_v.at[j]], pcb_v.at[j], sem_c[j]),
        ))

    for h in ht:
        h.wait()

    @pl.loop(0, ITERS, unroll=2)
    def _pass1(i):
        o = i * LANES
        a = idxa_v[pl.ds(o, LANES)]
        b = idxb_v[pl.ds(o, LANES)]
        c = idxc_v[pl.ds(o, LANES)]
        pa = plsc.load_gather(wa_v, [a])
        pb = plsc.load_gather(wb_v, [b])
        pc = plsc.load_gather(wc_v, [c])
        t1_v[pl.ds(o, LANES)] = pa + pc
        t2_v[pl.ds(o, LANES)] = pb / (pa * pc)

    for j in range(N_CHUNKS):
        hs[j][0].wait()
        hs[j][1].wait()

        @pl.loop(0, GRP, unroll=2)
        def _pass2(g, j=j):
            o = j * CHUNK + g * LANES
            jo = g * LANES
            pab = pab_v[j, pl.ds(jo, LANES)]
            pcb = pcb_v[j, pl.ds(jo, LANES)]
            out_v[pl.ds(o, LANES)] = (t1_v[pl.ds(o, LANES)]
                                      + pab * pcb * t2_v[pl.ds(o, LANES)])
    pltpu.sync_copy(out_v, out_hbm.at[pl.ds(base, B_PER_W)])


@jax.jit
def _run(ia, ib, ic, w_A, w_B, w_C, wab_flat, wcb_flat):
    mesh = plsc.VectorSubcoreMesh(core_axis_name="c", subcore_axis_name="s")
    f = pl.kernel(
        _sc_body,
        mesh=mesh,
        compiler_params=pltpu.CompilerParams(needs_layout_passes=False),
        out_type=jax.ShapeDtypeStruct((BATCH,), jnp.float32),
        scratch_types=[
            pltpu.VMEM((B_PER_W,), jnp.int32),
            pltpu.VMEM((B_PER_W,), jnp.int32),
            pltpu.VMEM((B_PER_W,), jnp.int32),
            pltpu.VMEM((N_CHUNKS, CHUNK), jnp.int32),
            pltpu.VMEM((N_CHUNKS, CHUNK), jnp.int32),
            pltpu.VMEM((N_CHUNKS, CHUNK), jnp.float32),
            pltpu.VMEM((N_CHUNKS, CHUNK), jnp.float32),
            pltpu.VMEM((B_PER_W,), jnp.float32),
            pltpu.VMEM((B_PER_W,), jnp.float32),
            pltpu.VMEM((N_TAB,), jnp.float32),
            pltpu.VMEM((N_TAB,), jnp.float32),
            pltpu.VMEM((N_TAB,), jnp.float32),
            pltpu.VMEM((B_PER_W,), jnp.float32),
            pltpu.SemaphoreType.DMA,
            pltpu.SemaphoreType.DMA,
            pltpu.SemaphoreType.DMA,
            pltpu.SemaphoreType.DMA,
            pltpu.SemaphoreType.DMA,
            pltpu.SemaphoreType.DMA,
        ],
    )
    return f(ia, ib, ic, w_A, w_B, w_C, wab_flat, wcb_flat)


def kernel(inputs, w_A, w_B, w_C, w_AB, w_CB):
    ia = inputs[:, 0]
    ib = inputs[:, 1]
    ic = inputs[:, 2]
    wab_flat = w_AB.reshape(-1)
    wcb_flat = w_CB.reshape(-1)
    return _run(ia, ib, ic, w_A, w_B, w_C, wab_flat, wcb_flat)

# --- scband reference (transcript-rebuilt; emitter-appended) ---
"""Pipeline reference for scband-model4-52836687676074 (READ-ONLY COPY).

The authoritative reference and input builder live on the scoring server;
editing this copy changes nothing except your own understanding.
"""

import jax, jax.numpy as jnp
import numpy as np

N = 1000
BATCH = 16384


def setup_inputs(seed: int = 0) -> dict:
    key = jax.random.key(seed)
    k1, k2, k3, k4, k5, k6 = jax.random.split(key, 6)
    inputs = jax.random.randint(k1, (BATCH, 3), 0, N, dtype=jnp.int64 if jax.config.jax_enable_x64 else jnp.int32).astype(jnp.int32)
    # Learned parameters: Marginal(N) -> w[N]; Conditional(N) -> w[N, N]
    # Offset marginals away from zero to keep the division numerically sane.
    w_A = jax.random.normal(k2, (N,), dtype=jnp.float32) * 0.1 + 1.0
    w_B = jax.random.normal(k3, (N,), dtype=jnp.float32) * 0.1 + 1.0
    w_C = jax.random.normal(k4, (N,), dtype=jnp.float32) * 0.1 + 1.0
    w_AB = jax.random.normal(k5, (N, N), dtype=jnp.float32) * 0.1
    w_CB = jax.random.normal(k6, (N, N), dtype=jnp.float32) * 0.1
    return {"inputs": inputs, "w_A": w_A, "w_B": w_B, "w_C": w_C, "w_AB": w_AB, "w_CB": w_CB}


def reference(inputs, w_A, w_B, w_C, w_AB, w_CB):
    # torch.split(inputs, 1, dim=1) + squeeze(1)
    idx_A = inputs[:, 0]
    idx_B = inputs[:, 1]
    idx_C = inputs[:, 2]
    # Marginal: gather w[idx]; Conditional: gather w[x, y]
    pA = jnp.take(w_A, idx_A, axis=0)
    pB = jnp.take(w_B, idx_B, axis=0)
    pC = jnp.take(w_C, idx_C, axis=0)
    pAB = w_AB[idx_A, idx_B]          # p_A_B(inputs_A, inputs_B)
    pCB = w_CB[idx_C, idx_A]          # p_C_B(inputs_C, inputs_A)
    out = pA + pAB * pCB * pB / (pA * pC) + pC
    return out

if __name__ == "__main__":
    import jax
    _d = setup_inputs()
    print(jax.jit(kernel)(*tuple(_d.values())))

</pallas_src>

<mosaic_0001>
#map = affine_map<(d0, d1) -> (0)>
module attributes {stable_mosaic.version = 14 : i64} {
  func.func @_sc_body(%arg0: i32, %arg1: i32, %arg2: memref<16384xi32, #tpu.memory_space<hbm>>, %arg3: memref<16384xi32, #tpu.memory_space<hbm>>, %arg4: memref<16384xi32, #tpu.memory_space<hbm>>, %arg5: memref<1000xf32, #tpu.memory_space<hbm>>, %arg6: memref<1000xf32, #tpu.memory_space<hbm>>, %arg7: memref<1000xf32, #tpu.memory_space<hbm>>, %arg8: memref<1000000xf32, #tpu.memory_space<hbm>>, %arg9: memref<1000000xf32, #tpu.memory_space<hbm>>, %arg10: memref<16384xf32, #tpu.memory_space<hbm>>, %arg11: memref<512xi32, #tpu.memory_space<vmem>>, %arg12: memref<512xi32, #tpu.memory_space<vmem>>, %arg13: memref<512xi32, #tpu.memory_space<vmem>>, %arg14: memref<4x128xi32, #tpu.memory_space<vmem>>, %arg15: memref<4x128xi32, #tpu.memory_space<vmem>>, %arg16: memref<4x128xf32, #tpu.memory_space<vmem>>, %arg17: memref<4x128xf32, #tpu.memory_space<vmem>>, %arg18: memref<512xf32, #tpu.memory_space<vmem>>, %arg19: memref<512xf32, #tpu.memory_space<vmem>>, %arg20: memref<1000xf32, #tpu.memory_space<vmem>>, %arg21: memref<1000xf32, #tpu.memory_space<vmem>>, %arg22: memref<1000xf32, #tpu.memory_space<vmem>>, %arg23: memref<512xf32, #tpu.memory_space<vmem>>, %arg24: memref<!tpu.dma_semaphore, #tpu.memory_space<semaphore_mem>>, %arg25: memref<!tpu.dma_semaphore, #tpu.memory_space<semaphore_mem>>, %arg26: memref<!tpu.dma_semaphore, #tpu.memory_space<semaphore_mem>>, %arg27: memref<!tpu.dma_semaphore, #tpu.memory_space<semaphore_mem>>, %arg28: memref<!tpu.dma_semaphore, #tpu.memory_space<semaphore_mem>>, %arg29: memref<!tpu.dma_semaphore, #tpu.memory_space<semaphore_mem>>) attributes {dimension_semantics = [#tpu.dimension_semantics<core_parallel>, #tpu.dimension_semantics<subcore_parallel>], iteration_bounds = array<i64: 2, 16>, scalar_prefetch = 0 : i64, scratch_operands = 19 : i64, tpu.core_type = #tpu.core_type<sc_vector_subcore>, window_params = [{transform_indices = #map}, {transform_indices = #map}, {transform_indices = #map}, {transform_indices = #map}, {transform_indices = #map}, {transform_indices = #map}, {transform_indices = #map}, {transform_indices = #map}, {transform_indices = #map}]} {
    %mul3A = arith.constant 2 : i32
    %mul3A_0 = arith.muli %arg1, %mul3A : i32
    %add3A = arith.addi %mul3A_0, %arg0 : i32
    %mul3A_1 = arith.constant 512 : i32
    %mul3A_2 = arith.muli %add3A, %mul3A_1 : i32
    %dma_start3A = tpu.memref_slice %arg2[%mul3A_2] : memref<16384xi32, #tpu.memory_space<hbm>> -> memref<512xi32, #tpu.memory_space<hbm>>
    %dma_start3A_3 = tpu.memref_slice %arg2[%mul3A_2] : memref<16384xi32, #tpu.memory_space<hbm>> -> memref<512xi32, #tpu.memory_space<hbm>>
    tpu.enqueue_dma source(%dma_start3A_3 : memref<512xi32, #tpu.memory_space<hbm>>) target(%arg11 : memref<512xi32, #tpu.memory_space<vmem>>) target_semaphore(%arg24 : memref<!tpu.dma_semaphore, #tpu.memory_space<semaphore_mem>>)
    %dma_start3A_4 = tpu.memref_slice %arg3[%mul3A_2] : memref<16384xi32, #tpu.memory_space<hbm>> -> memref<512xi32, #tpu.memory_space<hbm>>
    %dma_start3A_5 = tpu.memref_slice %arg3[%mul3A_2] : memref<16384xi32, #tpu.memory_space<hbm>> -> memref<512xi32, #tpu.memory_space<hbm>>
    tpu.enqueue_dma source(%dma_start3A_5 : memref<512xi32, #tpu.memory_space<hbm>>) target(%arg12 : memref<512xi32, #tpu.memory_space<vmem>>) target_semaphore(%arg24 : memref<!tpu.dma_semaphore, #tpu.memory_space<semaphore_mem>>)
    %dma_start3A_6 = tpu.memref_slice %arg4[%mul3A_2] : memref<16384xi32, #tpu.memory_space<hbm>> -> memref<512xi32, #tpu.memory_space<hbm>>
    %dma_start3A_7 = tpu.memref_slice %arg4[%mul3A_2] : memref<16384xi32, #tpu.memory_space<hbm>> -> memref<512xi32, #tpu.memory_space<hbm>>
    tpu.enqueue_dma source(%dma_start3A_7 : memref<512xi32, #tpu.memory_space<hbm>>) target(%arg13 : memref<512xi32, #tpu.memory_space<vmem>>) target_semaphore(%arg24 : memref<!tpu.dma_semaphore, #tpu.memory_space<semaphore_mem>>)
    tpu.enqueue_dma source(%arg5 : memref<1000xf32, #tpu.memory_space<hbm>>) target(%arg20 : memref<1000xf32, #tpu.memory_space<vmem>>) target_semaphore(%arg25 : memref<!tpu.dma_semaphore, #tpu.memory_space<semaphore_mem>>)
    tpu.enqueue_dma source(%arg6 : memref<1000xf32, #tpu.memory_space<hbm>>) target(%arg21 : memref<1000xf32, #tpu.memory_space<vmem>>) target_semaphore(%arg25 : memref<!tpu.dma_semaphore, #tpu.memory_space<semaphore_mem>>)
    tpu.enqueue_dma source(%arg7 : memref<1000xf32, #tpu.memory_space<hbm>>) target(%arg22 : memref<1000xf32, #tpu.memory_space<vmem>>) target_semaphore(%arg25 : memref<!tpu.dma_semaphore, #tpu.memory_space<semaphore_mem>>)
    %dma_wait3A = tpu.memref_slice %arg2[%mul3A_2] : memref<16384xi32, #tpu.memory_space<hbm>> -> memref<512xi32, #tpu.memory_space<hbm>>
    %dma_wait3A_8 = tpu.memref_slice %arg2[%mul3A_2] : memref<16384xi32, #tpu.memory_space<hbm>> -> memref<512xi32, #tpu.memory_space<hbm>>
    tpu.wait_dma2 semaphore(%arg24 : memref<!tpu.dma_semaphore, #tpu.memory_space<semaphore_mem>>) src(%dma_wait3A_8 : memref<512xi32, #tpu.memory_space<hbm>>) dst(%arg11 : memref<512xi32, #tpu.memory_space<vmem>>)
    %dma_wait3A_9 = tpu.memref_slice %arg3[%mul3A_2] : memref<16384xi32, #tpu.memory_space<hbm>> -> memref<512xi32, #tpu.memory_space<hbm>>
    %dma_wait3A_10 = tpu.memref_slice %arg3[%mul3A_2] : memref<16384xi32, #tpu.memory_space<hbm>> -> memref<512xi32, #tpu.memory_space<hbm>>
    tpu.wait_dma2 semaphore(%arg24 : memref<!tpu.dma_semaphore, #tpu.memory_space<semaphore_mem>>) src(%dma_wait3A_10 : memref<512xi32, #tpu.memory_space<hbm>>) dst(%arg12 : memref<512xi32, #tpu.memory_space<vmem>>)
    %dma_wait3A_11 = tpu.memref_slice %arg4[%mul3A_2] : memref<16384xi32, #tpu.memory_space<hbm>> -> memref<512xi32, #tpu.memory_space<hbm>>
    %dma_wait3A_12 = tpu.memref_slice %arg4[%mul3A_2] : memref<16384xi32, #tpu.memory_space<hbm>> -> memref<512xi32, #tpu.memory_space<hbm>>
    tpu.wait_dma2 semaphore(%arg24 : memref<!tpu.dma_semaphore, #tpu.memory_space<semaphore_mem>>) src(%dma_wait3A_12 : memref<512xi32, #tpu.memory_space<hbm>>) dst(%arg13 : memref<512xi32, #tpu.memory_space<vmem>>)
    %scan3A = arith.constant 0 : i32
    %scan3A_13 = arith.constant 8 : i32
    %scan3A_14 = arith.addi %scan3A, %scan3A_13 : i32
    %scan3A_15 = arith.constant 2 : i32
    scf.for %scan3A_217 = %scan3A to %scan3A_14 step %scan3A_15  : i32 {
      %mul3A_218 = arith.constant 1 : i32
      %mul3A_219 = arith.muli %scan3A_217, %mul3A_218 : i32
      %add3A_220 = arith.constant 0 : i32
      %add3A_221 = arith.addi %add3A_220, %mul3A_219 : i32
      %mul3A_222 = arith.constant 16 : i32
      %mul3A_223 = arith.muli %add3A_221, %mul3A_222 : i32
      %add3A_224 = arith.constant 0 : i32
      %add3A_225 = arith.addi %add3A_224, %mul3A_223 : i32
      %get3A = arith.index_cast %add3A_225 : i32 to index
      %get3A_226 = tpu.vector_load %arg11[%get3A] {strides = array<i32>} : memref<512xi32, #tpu.memory_space<vmem>>, vector<16xi32>,
      %get3A_227 = arith.index_cast %add3A_225 : i32 to index
      %get3A_228 = tpu.vector_load %arg12[%get3A_227] {strides = array<i32>} : memref<512xi32, #tpu.memory_space<vmem>>, vector<16xi32>,
      %get3A_229 = arith.index_cast %add3A_225 : i32 to index
      %get3A_230 = tpu.vector_load %arg13[%get3A_229] {strides = array<i32>} : memref<512xi32, #tpu.memory_space<vmem>>, vector<16xi32>,
      %mul3A_231 = arith.constant 1000 : i32
      %mul3A_232 = vector.broadcast %mul3A_231 : i32 to vector<16xi32>
      %mul3A_233 = arith.muli %get3A_226, %mul3A_232 : vector<16xi32>
      %add3A_234 = arith.addi %mul3A_233, %get3A_228 : vector<16xi32>
      %mul3A_235 = arith.constant 16 : i32
      %mul3A_236 = arith.muli %add3A_221, %mul3A_235 : i32
      %swap3A = arith.constant 0 : i32
      %swap3A_237 = arith.index_cast %swap3A : i32 to index
      %swap3A_238 = arith.index_cast %mul3A_236 : i32 to index
      %swap3A_239 = tpu.vector_load %arg14[%swap3A_237, %swap3A_238] {strides = array<i32>} : memref<4x128xi32, #tpu.memory_space<vmem>>, vector<16xi32>,
      tpu.vector_store %arg14[%swap3A_237, %swap3A_238], %add3A_234 {strides = array<i32>} : memref<4x128xi32, #tpu.memory_space<vmem>>, vector<16xi32>,
      %mul3A_240 = arith.constant 1000 : i32
      %mul3A_241 = vector.broadcast %mul3A_240 : i32 to vector<16xi32>
      %mul3A_242 = arith.muli %get3A_230, %mul3A_241 : vector<16xi32>
      %add3A_243 = arith.addi %mul3A_242, %get3A_226 : vector<16xi32>
      %mul3A_244 = arith.constant 16 : i32
      %mul3A_245 = arith.muli %add3A_221, %mul3A_244 : i32
      %swap3A_246 = arith.constant 0 : i32
      %swap3A_247 = arith.index_cast %swap3A_246 : i32 to index
      %swap3A_248 = arith.index_cast %mul3A_245 : i32 to index
      %swap3A_249 = tpu.vector_load %arg15[%swap3A_247, %swap3A_248] {strides = array<i32>} : memref<4x128xi32, #tpu.memory_space<vmem>>, vector<16xi32>,
      tpu.vector_store %arg15[%swap3A_247, %swap3A_248], %add3A_243 {strides = array<i32>} : memref<4x128xi32, #tpu.memory_space<vmem>>, vector<16xi32>,
      %scan3A_250 = arith.constant 1 : i32
      %scan3A_251 = arith.addi %scan3A_217, %scan3A_250 : i32
      %mul3A_252 = arith.constant 1 : i32
      %mul3A_253 = arith.muli %scan3A_251, %mul3A_252 : i32
      %add3A_254 = arith.constant 0 : i32
      %add3A_255 = arith.addi %add3A_254, %mul3A_253 : i32
      %mul3A_256 = arith.constant 16 : i32
      %mul3A_257 = arith.muli %add3A_255, %mul3A_256 : i32
      %add3A_258 = arith.constant 0 : i32
      %add3A_259 = arith.addi %add3A_258, %mul3A_257 : i32
      %get3A_260 = arith.index_cast %add3A_259 : i32 to index
      %get3A_261 = tpu.vector_load %arg11[%get3A_260] {strides = array<i32>} : memref<512xi32, #tpu.memory_space<vmem>>, vector<16xi32>,
      %get3A_262 = arith.index_cast %add3A_259 : i32 to index
      %get3A_263 = tpu.vector_load %arg12[%get3A_262] {strides = array<i32>} : memref<512xi32, #tpu.memory_space<vmem>>, vector<16xi32>,
      %get3A_264 = arith.index_cast %add3A_259 : i32 to index
      %get3A_265 = tpu.vector_load %arg13[%get3A_264] {strides = array<i32>} : memref<512xi32, #tpu.memory_space<vmem>>, vector<16xi32>,
      %mul3A_266 = arith.constant 1000 : i32
      %mul3A_267 = vector.broadcast %mul3A_266 : i32 to vector<16xi32>
      %mul3A_268 = arith.muli %get3A_261, %mul3A_267 : vector<16xi32>
      %add3A_269 = arith.addi %mul3A_268, %get3A_263 : vector<16xi32>
      %mul3A_270 = arith.constant 16 : i32
      %mul3A_271 = arith.muli %add3A_255, %mul3A_270 : i32
      %swap3A_272 = arith.constant 0 : i32
      %swap3A_273 = arith.index_cast %swap3A_272 : i32 to index
      %swap3A_274 = arith.index_cast %mul3A_271 : i32 to index
      %swap3A_275 = tpu.vector_load %arg14[%swap3A_273, %swap3A_274] {strides = array<i32>} : memref<4x128xi32, #tpu.memory_space<vmem>>, vector<16xi32>,
      tpu.vector_store %arg14[%swap3A_273, %swap3A_274], %add3A_269 {strides = array<i32>} : memref<4x128xi32, #tpu.memory_space<vmem>>, vector<16xi32>,
      %mul3A_276 = arith.constant 1000 : i32
      %mul3A_277 = vector.broadcast %mul3A_276 : i32 to vector<16xi32>
      %mul3A_278 = arith.muli %get3A_265, %mul3A_277 : vector<16xi32>
      %add3A_279 = arith.addi %mul3A_278, %get3A_261 : vector<16xi32>
      %mul3A_280 = arith.constant 16 : i32
      %mul3A_281 = arith.muli %add3A_255, %mul3A_280 : i32
      %swap3A_282 = arith.constant 0 : i32
      %swap3A_283 = arith.index_cast %swap3A_282 : i32 to index
      %swap3A_284 = arith.index_cast %mul3A_281 : i32 to index
      %swap3A_285 = tpu.vector_load %arg15[%swap3A_283, %swap3A_284] {strides = array<i32>} : memref<4x128xi32, #tpu.memory_space<vmem>>, vector<16xi32>,
      tpu.vector_store %arg15[%swap3A_283, %swap3A_284], %add3A_279 {strides = array<i32>} : memref<4x128xi32, #tpu.memory_space<vmem>>, vector<16xi32>,
    }
    %scan3A_16 = arith.constant 8 : i32
    %dma_start3A_17 = arith.constant 0 : i32
    %dma_start3A_18 = arith.constant 0 : i32
    %dma_start3A_19 = arith.constant 0 : i32
    %dma_start3A_20 = tpu.memref_slice %arg16[%dma_start3A_18, %dma_start3A_19] : memref<4x128xf32, #tpu.memory_space<vmem>> -> memref<1x128xf32, #tpu.memory_space<vmem>>
    %dma_start3A_21 = tpu.memref_squeeze %dma_start3A_20 : memref<1x128xf32, #tpu.memory_space<vmem>> -> memref<128xf32, #tpu.memory_space<vmem>>
    %dma_start3A_22 = arith.constant 0 : i32
    %dma_start3A_23 = tpu.memref_slice %arg14[%dma_start3A_17, %dma_start3A_22] : memref<4x128xi32, #tpu.memory_space<vmem>> -> memref<1x128xi32, #tpu.memory_space<vmem>>
    %dma_start3A_24 = tpu.memref_squeeze %dma_start3A_23 : memref<1x128xi32, #tpu.memory_space<vmem>> -> memref<128xi32, #tpu.memory_space<vmem>>
    %dma_start3A_25 = arith.constant 0 : i32
    %dma_start3A_26 = tpu.memref_slice %arg8[%dma_start3A_25] : memref<1000000xf32, #tpu.memory_space<hbm>> -> memref<1000000xf32, #tpu.memory_space<hbm>>
    tpu.enqueue_indirect_dma source(%dma_start3A_26 : memref<1000000xf32, #tpu.memory_space<hbm>>) target(%dma_start3A_21 : memref<128xf32, #tpu.memory_space<vmem>>) offsets(%dma_start3A_24 : memref<128xi32, #tpu.memory_space<vmem>>) semaphore(%arg26 : memref<!tpu.dma_semaphore, #tpu.memory_space<semaphore_mem>>)
    %dma_start3A_27 = arith.constant 0 : i32
    %dma_start3A_28 = arith.constant 0 : i32
    %dma_start3A_29 = arith.constant 0 : i32
    %dma_start3A_30 = tpu.memref_slice %arg17[%dma_start3A_28, %dma_start3A_29] : memref<4x128xf32, #tpu.memory_space<vmem>> -> memref<1x128xf32, #tpu.memory_space<vmem>>
    %dma_start3A_31 = tpu.memref_squeeze %dma_start3A_30 : memref<1x128xf32, #tpu.memory_space<vmem>> -> memref<128xf32, #tpu.memory_space<vmem>>
    %dma_start3A_32 = arith.constant 0 : i32
    %dma_start3A_33 = tpu.memref_slice %arg15[%dma_start3A_27, %dma_start3A_32] : memref<4x128xi32, #tpu.memory_space<vmem>> -> memref<1x128xi32, #tpu.memory_space<vmem>>
    %dma_start3A_34 = tpu.memref_squeeze %dma_start3A_33 : memref<1x128xi32, #tpu.memory_space<vmem>> -> memref<128xi32, #tpu.memory_space<vmem>>
    %dma_start3A_35 = arith.constant 0 : i32
    %dma_start3A_36 = tpu.memref_slice %arg9[%dma_start3A_35] : memref<1000000xf32, #tpu.memory_space<hbm>> -> memref<1000000xf32, #tpu.memory_space<hbm>>
    tpu.enqueue_indirect_dma source(%dma_start3A_36 : memref<1000000xf32, #tpu.memory_space<hbm>>) target(%dma_start3A_31 : memref<128xf32, #tpu.memory_space<vmem>>) offsets(%dma_start3A_34 : memref<128xi32, #tpu.memory_space<vmem>>) semaphore(%arg26 : memref<!tpu.dma_semaphore, #tpu.memory_space<semaphore_mem>>)
    %scan3A_37 = arith.constant 0 : i32
    %scan3A_38 = arith.constant 8 : i32
    %scan3A_39 = arith.addi %scan3A_37, %scan3A_38 : i32
    %scan3A_40 = arith.constant 2 : i32
    scf.for %scan3A_217 = %scan3A_37 to %scan3A_39 step %scan3A_40  : i32 {
      %mul3A_218 = arith.constant 1 : i32
      %mul3A_219 = arith.muli %scan3A_217, %mul3A_218 : i32
      %add3A_220 = arith.constant 0 : i32
      %add3A_221 = arith.addi %add3A_220, %mul3A_219 : i32
      %mul3A_222 = arith.constant 16 : i32
      %mul3A_223 = arith.muli %add3A_221, %mul3A_222 : i32
      %add3A_224 = arith.constant 128 : i32
      %add3A_225 = arith.addi %add3A_224, %mul3A_223 : i32
      %get3A = arith.index_cast %add3A_225 : i32 to index
      %get3A_226 = tpu.vector_load %arg11[%get3A] {strides = array<i32>} : memref<512xi32, #tpu.memory_space<vmem>>, vector<16xi32>,
      %get3A_227 = arith.index_cast %add3A_225 : i32 to index
      %get3A_228 = tpu.vector_load %arg12[%get3A_227] {strides = array<i32>} : memref<512xi32, #tpu.memory_space<vmem>>, vector<16xi32>,
      %get3A_229 = arith.index_cast %add3A_225 : i32 to index
      %get3A_230 = tpu.vector_load %arg13[%get3A_229] {strides = array<i32>} : memref<512xi32, #tpu.memory_space<vmem>>, vector<16xi32>,
      %mul3A_231 = arith.constant 1000 : i32
      %mul3A_232 = vector.broadcast %mul3A_231 : i32 to vector<16xi32>
      %mul3A_233 = arith.muli %get3A_226, %mul3A_232 : vector<16xi32>
      %add3A_234 = arith.addi %mul3A_233, %get3A_228 : vector<16xi32>
      %mul3A_235 = arith.constant 16 : i32
      %mul3A_236 = arith.muli %add3A_221, %mul3A_235 : i32
      %swap3A = arith.constant 1 : i32
      %swap3A_237 = arith.index_cast %swap3A : i32 to index
      %swap3A_238 = arith.index_cast %mul3A_236 : i32 to index
      %swap3A_239 = tpu.vector_load %arg14[%swap3A_237, %swap3A_238] {strides = array<i32>} : memref<4x128xi32, #tpu.memory_space<vmem>>, vector<16xi32>,
      tpu.vector_store %arg14[%swap3A_237, %swap3A_238], %add3A_234 {strides = array<i32>} : memref<4x128xi32, #tpu.memory_space<vmem>>, vector<16xi32>,
      %mul3A_240 = arith.constant 1000 : i32
      %mul3A_241 = vector.broadcast %mul3A_240 : i32 to vector<16xi32>
      %mul3A_242 = arith.muli %get3A_230, %mul3A_241 : vector<16xi32>
      %add3A_243 = arith.addi %mul3A_242, %get3A_226 : vector<16xi32>
      %mul3A_244 = arith.constant 16 : i32
      %mul3A_245 = arith.muli %add3A_221, %mul3A_244 : i32
      %swap3A_246 = arith.constant 1 : i32
      %swap3A_247 = arith.index_cast %swap3A_246 : i32 to index
      %swap3A_248 = arith.index_cast %mul3A_245 : i32 to index
      %swap3A_249 = tpu.vector_load %arg15[%swap3A_247, %swap3A_248] {strides = array<i32>} : memref<4x128xi32, #tpu.memory_space<vmem>>, vector<16xi32>,
      tpu.vector_store %arg15[%swap3A_247, %swap3A_248], %add3A_243 {strides = array<i32>} : memref<4x128xi32, #tpu.memory_space<vmem>>, vector<16xi32>,
      %scan3A_250 = arith.constant 1 : i32
      %scan3A_251 = arith.addi %scan3A_217, %scan3A_250 : i32
      %mul3A_252 = arith.constant 1 : i32
      %mul3A_253 = arith.muli %scan3A_251, %mul3A_252 : i32
      %add3A_254 = arith.constant 0 : i32
      %add3A_255 = arith.addi %add3A_254, %mul3A_253 : i32
      %mul3A_256 = arith.constant 16 : i32
      %mul3A_257 = arith.muli %add3A_255, %mul3A_256 : i32
      %add3A_258 = arith.constant 128 : i32
      %add3A_259 = arith.addi %add3A_258, %mul3A_257 : i32
      %get3A_260 = arith.index_cast %add3A_259 : i32 to index
      %get3A_261 = tpu.vector_load %arg11[%get3A_260] {strides = array<i32>} : memref<512xi32, #tpu.memory_space<vmem>>, vector<16xi32>,
      %get3A_262 = arith.index_cast %add3A_259 : i32 to index
      %get3A_263 = tpu.vector_load %arg12[%get3A_262] {strides = array<i32>} : memref<512xi32, #tpu.memory_space<vmem>>, vector<16xi32>,
      %get3A_264 = arith.index_cast %add3A_259 : i32 to index
      %get3A_265 = tpu.vector_load %arg13[%get3A_264] {strides = array<i32>} : memref<512xi32, #tpu.memory_space<vmem>>, vector<16xi32>,
      %mul3A_266 = arith.constant 1000 : i32
      %mul3A_267 = vector.broadcast %mul3A_266 : i32 to vector<16xi32>
      %mul3A_268 = arith.muli %get3A_261, %mul3A_267 : vector<16xi32>
      %add3A_269 = arith.addi %mul3A_268, %get3A_263 : vector<16xi32>
      %mul3A_270 = arith.constant 16 : i32
      %mul3A_271 = arith.muli %add3A_255, %mul3A_270 : i32
      %swap3A_272 = arith.constant 1 : i32
      %swap3A_273 = arith.index_cast %swap3A_272 : i32 to index
      %swap3A_274 = arith.index_cast %mul3A_271 : i32 to index
      %swap3A_275 = tpu.vector_load %arg14[%swap3A_273, %swap3A_274] {strides = array<i32>} : memref<4x128xi32, #tpu.memory_space<vmem>>, vector<16xi32>,
      tpu.vector_store %arg14[%swap3A_273, %swap3A_274], %add3A_269 {strides = array<i32>} : memref<4x128xi32, #tpu.memory_space<vmem>>, vector<16xi32>,
      %mul3A_276 = arith.constant 1000 : i32
      %mul3A_277 = vector.broadcast %mul3A_276 : i32 to vector<16xi32>
      %mul3A_278 = arith.muli %get3A_265, %mul3A_277 : vector<16xi32>
      %add3A_279 = arith.addi %mul3A_278, %get3A_261 : vector<16xi32>
      %mul3A_280 = arith.constant 16 : i32
      %mul3A_281 = arith.muli %add3A_255, %mul3A_280 : i32
      %swap3A_282 = arith.constant 1 : i32
      %swap3A_283 = arith.index_cast %swap3A_282 : i32 to index
      %swap3A_284 = arith.index_cast %mul3A_281 : i32 to index
      %swap3A_285 = tpu.vector_load %arg15[%swap3A_283, %swap3A_284] {strides = array<i32>} : memref<4x128xi32, #tpu.memory_space<vmem>>, vector<16xi32>,
      tpu.vector_store %arg15[%swap3A_283, %swap3A_284], %add3A_279 {strides = array<i32>} : memref<4x128xi32, #tpu.memory_space<vmem>>, vector<16xi32>,
    }
    %scan3A_41 = arith.constant 8 : i32
    %dma_start3A_42 = arith.constant 1 : i32
    %dma_start3A_43 = arith.constant 1 : i32
    %dma_start3A_44 = arith.constant 0 : i32
    %dma_start3A_45 = tpu.memref_slice %arg16[%dma_start3A_43, %dma_start3A_44] : memref<4x128xf32, #tpu.memory_space<vmem>> -> memref<1x128xf32, #tpu.memory_space<vmem>>
    %dma_start3A_46 = tpu.memref_squeeze %dma_start3A_45 : memref<1x128xf32, #tpu.memory_space<vmem>> -> memref<128xf32, #tpu.memory_space<vmem>>
    %dma_start3A_47 = arith.constant 0 : i32
    %dma_start3A_48 = tpu.memref_slice %arg14[%dma_start3A_42, %dma_start3A_47] : memref<4x128xi32, #tpu.memory_space<vmem>> -> memref<1x128xi32, #tpu.memory_space<vmem>>
    %dma_start3A_49 = tpu.memref_squeeze %dma_start3A_48 : memref<1x128xi32, #tpu.memory_space<vmem>> -> memref<128xi32, #tpu.memory_space<vmem>>
    %dma_start3A_50 = arith.constant 0 : i32
    %dma_start3A_51 = tpu.memref_slice %arg8[%dma_start3A_50] : memref<1000000xf32, #tpu.memory_space<hbm>> -> memref<1000000xf32, #tpu.memory_space<hbm>>
    tpu.enqueue_indirect_dma source(%dma_start3A_51 : memref<1000000xf32, #tpu.memory_space<hbm>>) target(%dma_start3A_46 : memref<128xf32, #tpu.memory_space<vmem>>) offsets(%dma_start3A_49 : memref<128xi32, #tpu.memory_space<vmem>>) semaphore(%arg27 : memref<!tpu.dma_semaphore, #tpu.memory_space<semaphore_mem>>)
    %dma_start3A_52 = arith.constant 1 : i32
    %dma_start3A_53 = arith.constant 1 : i32
    %dma_start3A_54 = arith.constant 0 : i32
    %dma_start3A_55 = tpu.memref_slice %arg17[%dma_start3A_53, %dma_start3A_54] : memref<4x128xf32, #tpu.memory_space<vmem>> -> memref<1x128xf32, #tpu.memory_space<vmem>>
    %dma_start3A_56 = tpu.memref_squeeze %dma_start3A_55 : memref<1x128xf32, #tpu.memory_space<vmem>> -> memref<128xf32, #tpu.memory_space<vmem>>
    %dma_start3A_57 = arith.constant 0 : i32
    %dma_start3A_58 = tpu.memref_slice %arg15[%dma_start3A_52, %dma_start3A_57] : memref<4x128xi32, #tpu.memory_space<vmem>> -> memref<1x128xi32, #tpu.memory_space<vmem>>
    %dma_start3A_59 = tpu.memref_squeeze %dma_start3A_58 : memref<1x128xi32, #tpu.memory_space<vmem>> -> memref<128xi32, #tpu.memory_space<vmem>>
    %dma_start3A_60 = arith.constant 0 : i32
    %dma_start3A_61 = tpu.memref_slice %arg9[%dma_start3A_60] : memref<1000000xf32, #tpu.memory_space<hbm>> -> memref<1000000xf32, #tpu.memory_space<hbm>>
    tpu.enqueue_indirect_dma source(%dma_start3A_61 : memref<1000000xf32, #tpu.memory_space<hbm>>) target(%dma_start3A_56 : memref<128xf32, #tpu.memory_space<vmem>>) offsets(%dma_start3A_59 : memref<128xi32, #tpu.memory_space<vmem>>) semaphore(%arg27 : memref<!tpu.dma_semaphore, #tpu.memory_space<semaphore_mem>>)
    %scan3A_62 = arith.constant 0 : i32
    %scan3A_63 = arith.constant 8 : i32
    %scan3A_64 = arith.addi %scan3A_62, %scan3A_63 : i32
    %scan3A_65 = arith.constant 2 : i32
    scf.for %scan3A_217 = %scan3A_62 to %scan3A_64 step %scan3A_65  : i32 {
      %mul3A_218 = arith.constant 1 : i32
      %mul3A_219 = arith.muli %scan3A_217, %mul3A_218 : i32
      %add3A_220 = arith.constant 0 : i32
      %add3A_221 = arith.addi %add3A_220, %mul3A_219 : i32
      %mul3A_222 = arith.constant 16 : i32
      %mul3A_223 = arith.muli %add3A_221, %mul3A_222 : i32
      %add3A_224 = arith.constant 256 : i32
      %add3A_225 = arith.addi %add3A_224, %mul3A_223 : i32
      %get3A = arith.index_cast %add3A_225 : i32 to index
      %get3A_226 = tpu.vector_load %arg11[%get3A] {strides = array<i32>} : memref<512xi32, #tpu.memory_space<vmem>>, vector<16xi32>,
      %get3A_227 = arith.index_cast %add3A_225 : i32 to index
      %get3A_228 = tpu.vector_load %arg12[%get3A_227] {strides = array<i32>} : memref<512xi32, #tpu.memory_space<vmem>>, vector<16xi32>,
      %get3A_229 = arith.index_cast %add3A_225 : i32 to index
      %get3A_230 = tpu.vector_load %arg13[%get3A_229] {strides = array<i32>} : memref<512xi32, #tpu.memory_space<vmem>>, vector<16xi32>,
      %mul3A_231 = arith.constant 1000 : i32
      %mul3A_232 = vector.broadcast %mul3A_231 : i32 to vector<16xi32>
      %mul3A_233 = arith.muli %get3A_226, %mul3A_232 : vector<16xi32>
      %add3A_234 = arith.addi %mul3A_233, %get3A_228 : vector<16xi32>
      %mul3A_235 = arith.constant 16 : i32
      %mul3A_236 = arith.muli %add3A_221, %mul3A_235 : i32
      %swap3A = arith.constant 2 : i32
      %swap3A_237 = arith.index_cast %swap3A : i32 to index
      %swap3A_238 = arith.index_cast %mul3A_236 : i32 to index
      %swap3A_239 = tpu.vector_load %arg14[%swap3A_237, %swap3A_238] {strides = array<i32>} : memref<4x128xi32, #tpu.memory_space<vmem>>, vector<16xi32>,
      tpu.vector_store %arg14[%swap3A_237, %swap3A_238], %add3A_234 {strides = array<i32>} : memref<4x128xi32, #tpu.memory_space<vmem>>, vector<16xi32>,
      %mul3A_240 = arith.constant 1000 : i32
      %mul3A_241 = vector.broadcast %mul3A_240 : i32 to vector<16xi32>
      %mul3A_242 = arith.muli %get3A_230, %mul3A_241 : vector<16xi32>
      %add3A_243 = arith.addi %mul3A_242, %get3A_226 : vector<16xi32>
      %mul3A_244 = arith.constant 16 : i32
      %mul3A_245 = arith.muli %add3A_221, %mul3A_244 : i32
      %swap3A_246 = arith.constant 2 : i32
      %swap3A_247 = arith.index_cast %swap3A_246 : i32 to index
      %swap3A_248 = arith.index_cast %mul3A_245 : i32 to index
      %swap3A_249 = tpu.vector_load %arg15[%swap3A_247, %swap3A_248] {strides = array<i32>} : memref<4x128xi32, #tpu.memory_space<vmem>>, vector<16xi32>,
      tpu.vector_store %arg15[%swap3A_247, %swap3A_248], %add3A_243 {strides = array<i32>} : memref<4x128xi32, #tpu.memory_space<vmem>>, vector<16xi32>,
      %scan3A_250 = arith.constant 1 : i32
      %scan3A_251 = arith.addi %scan3A_217, %scan3A_250 : i32
      %mul3A_252 = arith.constant 1 : i32
      %mul3A_253 = arith.muli %scan3A_251, %mul3A_252 : i32
      %add3A_254 = arith.constant 0 : i32
      %add3A_255 = arith.addi %add3A_254, %mul3A_253 : i32
      %mul3A_256 = arith.constant 16 : i32
      %mul3A_257 = arith.muli %add3A_255, %mul3A_256 : i32
      %add3A_258 = arith.constant 256 : i32
      %add3A_259 = arith.addi %add3A_258, %mul3A_257 : i32
      %get3A_260 = arith.index_cast %add3A_259 : i32 to index
      %get3A_261 = tpu.vector_load %arg11[%get3A_260] {strides = array<i32>} : memref<512xi32, #tpu.memory_space<vmem>>, vector<16xi32>,
      %get3A_262 = arith.index_cast %add3A_259 : i32 to index
      %get3A_263 = tpu.vector_load %arg12[%get3A_262] {strides = array<i32>} : memref<512xi32, #tpu.memory_space<vmem>>, vector<16xi32>,
      %get3A_264 = arith.index_cast %add3A_259 : i32 to index
      %get3A_265 = tpu.vector_load %arg13[%get3A_264] {strides = array<i32>} : memref<512xi32, #tpu.memory_space<vmem>>, vector<16xi32>,
      %mul3A_266 = arith.constant 1000 : i32
      %mul3A_267 = vector.broadcast %mul3A_266 : i32 to vector<16xi32>
      %mul3A_268 = arith.muli %get3A_261, %mul3A_267 : vector<16xi32>
      %add3A_269 = arith.addi %mul3A_268, %get3A_263 : vector<16xi32>
      %mul3A_270 = arith.constant 16 : i32
      %mul3A_271 = arith.muli %add3A_255, %mul3A_270 : i32
      %swap3A_272 = arith.constant 2 : i32
      %swap3A_273 = arith.index_cast %swap3A_272 : i32 to index
      %swap3A_274 = arith.index_cast %mul3A_271 : i32 to index
      %swap3A_275 = tpu.vector_load %arg14[%swap3A_273, %swap3A_274] {strides = array<i32>} : memref<4x128xi32, #tpu.memory_space<vmem>>, vector<16xi32>,
      tpu.vector_store %arg14[%swap3A_273, %swap3A_274], %add3A_269 {strides = array<i32>} : memref<4x128xi32, #tpu.memory_space<vmem>>, vector<16xi32>,
      %mul3A_276 = arith.constant 1000 : i32
      %mul3A_277 = vector.broadcast %mul3A_276 : i32 to vector<16xi32>
      %mul3A_278 = arith.muli %get3A_265, %mul3A_277 : vector<16xi32>
      %add3A_279 = arith.addi %mul3A_278, %get3A_261 : vector<16xi32>
      %mul3A_280 = arith.constant 16 : i32
      %mul3A_281 = arith.muli %add3A_255, %mul3A_280 : i32
      %swap3A_282 = arith.constant 2 : i32
      %swap3A_283 = arith.index_cast %swap3A_282 : i32 to index
      %swap3A_284 = arith.index_cast %mul3A_281 : i32 to index
      %swap3A_285 = tpu.vector_load %arg15[%swap3A_283, %swap3A_284] {strides = array<i32>} : memref<4x128xi32, #tpu.memory_space<vmem>>, vector<16xi32>,
      tpu.vector_store %arg15[%swap3A_283, %swap3A_284], %add3A_279 {strides = array<i32>} : memref<4x128xi32, #tpu.memory_space<vmem>>, vector<16xi32>,
    }
    %scan3A_66 = arith.constant 8 : i32
    %dma_start3A_67 = arith.constant 2 : i32
    %dma_start3A_68 = arith.constant 2 : i32
    %dma_start3A_69 = arith.constant 0 : i32
    %dma_start3A_70 = tpu.memref_slice %arg16[%dma_start3A_68, %dma_start3A_69] : memref<4x128xf32, #tpu.memory_space<vmem>> -> memref<1x128xf32, #tpu.memory_space<vmem>>
    %dma_start3A_71 = tpu.memref_squeeze %dma_start3A_70 : memref<1x128xf32, #tpu.memory_space<vmem>> -> memref<128xf32, #tpu.memory_space<vmem>>
    %dma_start3A_72 = arith.constant 0 : i32
    %dma_start3A_73 = tpu.memref_slice %arg14[%dma_start3A_67, %dma_start3A_72] : memref<4x128xi32, #tpu.memory_space<vmem>> -> memref<1x128xi32, #tpu.memory_space<vmem>>
    %dma_start3A_74 = tpu.memref_squeeze %dma_start3A_73 : memref<1x128xi32, #tpu.memory_space<vmem>> -> memref<128xi32, #tpu.memory_space<vmem>>
    %dma_start3A_75 = arith.constant 0 : i32
    %dma_start3A_76 = tpu.memref_slice %arg8[%dma_start3A_75] : memref<1000000xf32, #tpu.memory_space<hbm>> -> memref<1000000xf32, #tpu.memory_space<hbm>>
    tpu.enqueue_indirect_dma source(%dma_start3A_76 : memref<1000000xf32, #tpu.memory_space<hbm>>) target(%dma_start3A_71 : memref<128xf32, #tpu.memory_space<vmem>>) offsets(%dma_start3A_74 : memref<128xi32, #tpu.memory_space<vmem>>) semaphore(%arg28 : memref<!tpu.dma_semaphore, #tpu.memory_space<semaphore_mem>>)
    %dma_start3A_77 = arith.constant 2 : i32
    %dma_start3A_78 = arith.constant 2 : i32
    %dma_start3A_79 = arith.constant 0 : i32
    %dma_start3A_80 = tpu.memref_slice %arg17[%dma_start3A_78, %dma_start3A_79] : memref<4x128xf32, #tpu.memory_space<vmem>> -> memref<1x128xf32, #tpu.memory_space<vmem>>
    %dma_start3A_81 = tpu.memref_squeeze %dma_start3A_80 : memref<1x128xf32, #tpu.memory_space<vmem>> -> memref<128xf32, #tpu.memory_space<vmem>>
    %dma_start3A_82 = arith.constant 0 : i32
    %dma_start3A_83 = tpu.memref_slice %arg15[%dma_start3A_77, %dma_start3A_82] : memref<4x128xi32, #tpu.memory_space<vmem>> -> memref<1x128xi32, #tpu.memory_space<vmem>>
    %dma_start3A_84 = tpu.memref_squeeze %dma_start3A_83 : memref<1x128xi32, #tpu.memory_space<vmem>> -> memref<128xi32, #tpu.memory_space<vmem>>
    %dma_start3A_85 = arith.constant 0 : i32
    %dma_start3A_86 = tpu.memref_slice %arg9[%dma_start3A_85] : memref<1000000xf32, #tpu.memory_space<hbm>> -> memref<1000000xf32, #tpu.memory_space<hbm>>
    tpu.enqueue_indirect_dma source(%dma_start3A_86 : memref<1000000xf32, #tpu.memory_space<hbm>>) target(%dma_start3A_81 : memref<128xf32, #tpu.memory_space<vmem>>) offsets(%dma_start3A_84 : memref<128xi32, #tpu.memory_space<vmem>>) semaphore(%arg28 : memref<!tpu.dma_semaphore, #tpu.memory_space<semaphore_mem>>)
    %scan3A_87 = arith.constant 0 : i32
    %scan3A_88 = arith.constant 8 : i32
    %scan3A_89 = arith.addi %scan3A_87, %scan3A_88 : i32
    %scan3A_90 = arith.constant 2 : i32
    scf.for %scan3A_217 = %scan3A_87 to %scan3A_89 step %scan3A_90  : i32 {
      %mul3A_218 = arith.constant 1 : i32
      %mul3A_219 = arith.muli %scan3A_217, %mul3A_218 : i32
      %add3A_220 = arith.constant 0 : i32
      %add3A_221 = arith.addi %add3A_220, %mul3A_219 : i32
      %mul3A_222 = arith.constant 16 : i32
      %mul3A_223 = arith.muli %add3A_221, %mul3A_222 : i32
      %add3A_224 = arith.constant 384 : i32
      %add3A_225 = arith.addi %add3A_224, %mul3A_223 : i32
      %get3A = arith.index_cast %add3A_225 : i32 to index
      %get3A_226 = tpu.vector_load %arg11[%get3A] {strides = array<i32>} : memref<512xi32, #tpu.memory_space<vmem>>, vector<16xi32>,
      %get3A_227 = arith.index_cast %add3A_225 : i32 to index
      %get3A_228 = tpu.vector_load %arg12[%get3A_227] {strides = array<i32>} : memref<512xi32, #tpu.memory_space<vmem>>, vector<16xi32>,
      %get3A_229 = arith.index_cast %add3A_225 : i32 to index
      %get3A_230 = tpu.vector_load %arg13[%get3A_229] {strides = array<i32>} : memref<512xi32, #tpu.memory_space<vmem>>, vector<16xi32>,
      %mul3A_231 = arith.constant 1000 : i32
      %mul3A_232 = vector.broadcast %mul3A_231 : i32 to vector<16xi32>
      %mul3A_233 = arith.muli %get3A_226, %mul3A_232 : vector<16xi32>
      %add3A_234 = arith.addi %mul3A_233, %get3A_228 : vector<16xi32>
      %mul3A_235 = arith.constant 16 : i32
      %mul3A_236 = arith.muli %add3A_221, %mul3A_235 : i32
      %swap3A = arith.constant 3 : i32
      %swap3A_237 = arith.index_cast %swap3A : i32 to index
      %swap3A_238 = arith.index_cast %mul3A_236 : i32 to index
      %swap3A_239 = tpu.vector_load %arg14[%swap3A_237, %swap3A_238] {strides = array<i32>} : memref<4x128xi32, #tpu.memory_space<vmem>>, vector<16xi32>,
      tpu.vector_store %arg14[%swap3A_237, %swap3A_238], %add3A_234 {strides = array<i32>} : memref<4x128xi32, #tpu.memory_space<vmem>>, vector<16xi32>,
      %mul3A_240 = arith.constant 1000 : i32
      %mul3A_241 = vector.broadcast %mul3A_240 : i32 to vector<16xi32>
      %mul3A_242 = arith.muli %get3A_230, %mul3A_241 : vector<16xi32>
      %add3A_243 = arith.addi %mul3A_242, %get3A_226 : vector<16xi32>
      %mul3A_244 = arith.constant 16 : i32
      %mul3A_245 = arith.muli %add3A_221, %mul3A_244 : i32
      %swap3A_246 = arith.constant 3 : i32
      %swap3A_247 = arith.index_cast %swap3A_246 : i32 to index
      %swap3A_248 = arith.index_cast %mul3A_245 : i32 to index
      %swap3A_249 = tpu.vector_load %arg15[%swap3A_247, %swap3A_248] {strides = array<i32>} : memref<4x128xi32, #tpu.memory_space<vmem>>, vector<16xi32>,
      tpu.vector_store %arg15[%swap3A_247, %swap3A_248], %add3A_243 {strides = array<i32>} : memref<4x128xi32, #tpu.memory_space<vmem>>, vector<16xi32>,
      %scan3A_250 = arith.constant 1 : i32
      %scan3A_251 = arith.addi %scan3A_217, %scan3A_250 : i32
      %mul3A_252 = arith.constant 1 : i32
      %mul3A_253 = arith.muli %scan3A_251, %mul3A_252 : i32
      %add3A_254 = arith.constant 0 : i32
      %add3A_255 = arith.addi %add3A_254, %mul3A_253 : i32
      %mul3A_256 = arith.constant 16 : i32
      %mul3A_257 = arith.muli %add3A_255, %mul3A_256 : i32
      %add3A_258 = arith.constant 384 : i32
      %add3A_259 = arith.addi %add3A_258, %mul3A_257 : i32
      %get3A_260 = arith.index_cast %add3A_259 : i32 to index
      %get3A_261 = tpu.vector_load %arg11[%get3A_260] {strides = array<i32>} : memref<512xi32, #tpu.memory_space<vmem>>, vector<16xi32>,
      %get3A_262 = arith.index_cast %add3A_259 : i32 to index
      %get3A_263 = tpu.vector_load %arg12[%get3A_262] {strides = array<i32>} : memref<512xi32, #tpu.memory_space<vmem>>, vector<16xi32>,
      %get3A_264 = arith.index_cast %add3A_259 : i32 to index
      %get3A_265 = tpu.vector_load %arg13[%get3A_264] {strides = array<i32>} : memref<512xi32, #tpu.memory_space<vmem>>, vector<16xi32>,
      %mul3A_266 = arith.constant 1000 : i32
      %mul3A_267 = vector.broadcast %mul3A_266 : i32 to vector<16xi32>
      %mul3A_268 = arith.muli %get3A_261, %mul3A_267 : vector<16xi32>
      %add3A_269 = arith.addi %mul3A_268, %get3A_263 : vector<16xi32>
      %mul3A_270 = arith.constant 16 : i32
      %mul3A_271 = arith.muli %add3A_255, %mul3A_270 : i32
      %swap3A_272 = arith.constant 3 : i32
      %swap3A_273 = arith.index_cast %swap3A_272 : i32 to index
      %swap3A_274 = arith.index_cast %mul3A_271 : i32 to index
      %swap3A_275 = tpu.vector_load %arg14[%swap3A_273, %swap3A_274] {strides = array<i32>} : memref<4x128xi32, #tpu.memory_space<vmem>>, vector<16xi32>,
      tpu.vector_store %arg14[%swap3A_273, %swap3A_274], %add3A_269 {strides = array<i32>} : memref<4x128xi32, #tpu.memory_space<vmem>>, vector<16xi32>,
      %mul3A_276 = arith.constant 1000 : i32
      %mul3A_277 = vector.broadcast %mul3A_276 : i32 to vector<16xi32>
      %mul3A_278 = arith.muli %get3A_265, %mul3A_277 : vector<16xi32>
      %add3A_279 = arith.addi %mul3A_278, %get3A_261 : vector<16xi32>
      %mul3A_280 = arith.constant 16 : i32
      %mul3A_281 = arith.muli %add3A_255, %mul3A_280 : i32
      %swap3A_282 = arith.constant 3 : i32
      %swap3A_283 = arith.index_cast %swap3A_282 : i32 to index
      %swap3A_284 = arith.index_cast %mul3A_281 : i32 to index
      %swap3A_285 = tpu.vector_load %arg15[%swap3A_283, %swap3A_284] {strides = array<i32>} : memref<4x128xi32, #tpu.memory_space<vmem>>, vector<16xi32>,
      tpu.vector_store %arg15[%swap3A_283, %swap3A_284], %add3A_279 {strides = array<i32>} : memref<4x128xi32, #tpu.memory_space<vmem>>, vector<16xi32>,
    }
    %scan3A_91 = arith.constant 8 : i32
    %dma_start3A_92 = arith.constant 3 : i32
    %dma_start3A_93 = arith.constant 3 : i32
    %dma_start3A_94 = arith.constant 0 : i32
    %dma_start3A_95 = tpu.memref_slice %arg16[%dma_start3A_93, %dma_start3A_94] : memref<4x128xf32, #tpu.memory_space<vmem>> -> memref<1x128xf32, #tpu.memory_space<vmem>>
    %dma_start3A_96 = tpu.memref_squeeze %dma_start3A_95 : memref<1x128xf32, #tpu.memory_space<vmem>> -> memref<128xf32, #tpu.memory_space<vmem>>
    %dma_start3A_97 = arith.constant 0 : i32
    %dma_start3A_98 = tpu.memref_slice %arg14[%dma_start3A_92, %dma_start3A_97] : memref<4x128xi32, #tpu.memory_space<vmem>> -> memref<1x128xi32, #tpu.memory_space<vmem>>
    %dma_start3A_99 = tpu.memref_squeeze %dma_start3A_98 : memref<1x128xi32, #tpu.memory_space<vmem>> -> memref<128xi32, #tpu.memory_space<vmem>>
    %dma_start3A_100 = arith.constant 0 : i32
    %dma_start3A_101 = tpu.memref_slice %arg8[%dma_start3A_100] : memref<1000000xf32, #tpu.memory_space<hbm>> -> memref<1000000xf32, #tpu.memory_space<hbm>>
    tpu.enqueue_indirect_dma source(%dma_start3A_101 : memref<1000000xf32, #tpu.memory_space<hbm>>) target(%dma_start3A_96 : memref<128xf32, #tpu.memory_space<vmem>>) offsets(%dma_start3A_99 : memref<128xi32, #tpu.memory_space<vmem>>) semaphore(%arg29 : memref<!tpu.dma_semaphore, #tpu.memory_space<semaphore_mem>>)
    %dma_start3A_102 = arith.constant 3 : i32
    %dma_start3A_103 = arith.constant 3 : i32
    %dma_start3A_104 = arith.constant 0 : i32
    %dma_start3A_105 = tpu.memref_slice %arg17[%dma_start3A_103, %dma_start3A_104] : memref<4x128xf32, #tpu.memory_space<vmem>> -> memref<1x128xf32, #tpu.memory_space<vmem>>
    %dma_start3A_106 = tpu.memref_squeeze %dma_start3A_105 : memref<1x128xf32, #tpu.memory_space<vmem>> -> memref<128xf32, #tpu.memory_space<vmem>>
    %dma_start3A_107 = arith.constant 0 : i32
    %dma_start3A_108 = tpu.memref_slice %arg15[%dma_start3A_102, %dma_start3A_107] : memref<4x128xi32, #tpu.memory_space<vmem>> -> memref<1x128xi32, #tpu.memory_space<vmem>>
    %dma_start3A_109 = tpu.memref_squeeze %dma_start3A_108 : memref<1x128xi32, #tpu.memory_space<vmem>> -> memref<128xi32, #tpu.memory_space<vmem>>
    %dma_start3A_110 = arith.constant 0 : i32
    %dma_start3A_111 = tpu.memref_slice %arg9[%dma_start3A_110] : memref<1000000xf32, #tpu.memory_space<hbm>> -> memref<1000000xf32, #tpu.memory_space<hbm>>
    tpu.enqueue_indirect_dma source(%dma_start3A_111 : memref<1000000xf32, #tpu.memory_space<hbm>>) target(%dma_start3A_106 : memref<128xf32, #tpu.memory_space<vmem>>) offsets(%dma_start3A_109 : memref<128xi32, #tpu.memory_space<vmem>>) semaphore(%arg29 : memref<!tpu.dma_semaphore, #tpu.memory_space<semaphore_mem>>)
    tpu.wait_dma2 semaphore(%arg25 : memref<!tpu.dma_semaphore, #tpu.memory_space<semaphore_mem>>) src(%arg5 : memref<1000xf32, #tpu.memory_space<hbm>>) dst(%arg20 : memref<1000xf32, #tpu.memory_space<vmem>>)
    tpu.wait_dma2 semaphore(%arg25 : memref<!tpu.dma_semaphore, #tpu.memory_space<semaphore_mem>>) src(%arg6 : memref<1000xf32, #tpu.memory_space<hbm>>) dst(%arg21 : memref<1000xf32, #tpu.memory_space<vmem>>)
    tpu.wait_dma2 semaphore(%arg25 : memref<!tpu.dma_semaphore, #tpu.memory_space<semaphore_mem>>) src(%arg7 : memref<1000xf32, #tpu.memory_space<hbm>>) dst(%arg22 : memref<1000xf32, #tpu.memory_space<vmem>>)
    %scan3A_112 = arith.constant 0 : i32
    %scan3A_113 = arith.constant 32 : i32
    %scan3A_114 = arith.addi %scan3A_112, %scan3A_113 : i32
    %scan3A_115 = arith.constant 2 : i32
    scf.for %scan3A_217 = %scan3A_112 to %scan3A_114 step %scan3A_115  : i32 {
      %mul3A_218 = arith.constant 1 : i32
      %mul3A_219 = arith.muli %scan3A_217, %mul3A_218 : i32
      %add3A_220 = arith.constant 0 : i32
      %add3A_221 = arith.addi %add3A_220, %mul3A_219 : i32
      %mul3A_222 = arith.constant 16 : i32
      %mul3A_223 = arith.muli %add3A_221, %mul3A_222 : i32
      %get3A = arith.index_cast %mul3A_223 : i32 to index
      %get3A_224 = tpu.vector_load %arg11[%get3A] {strides = array<i32>} : memref<512xi32, #tpu.memory_space<vmem>>, vector<16xi32>,
      %get3A_225 = arith.index_cast %mul3A_223 : i32 to index
      %get3A_226 = tpu.vector_load %arg12[%get3A_225] {strides = array<i32>} : memref<512xi32, #tpu.memory_space<vmem>>, vector<16xi32>,
      %get3A_227 = arith.index_cast %mul3A_223 : i32 to index
      %get3A_228 = tpu.vector_load %arg13[%get3A_227] {strides = array<i32>} : memref<512xi32, #tpu.memory_space<vmem>>, vector<16xi32>,
      %gather3A = tpu.vector_load_idx %arg20[%get3A_224] : memref<1000xf32, #tpu.memory_space<vmem>>[vector<16xi32>], vector<16xf32>,
      %gather3A_229 = tpu.vector_load_idx %arg21[%get3A_226] : memref<1000xf32, #tpu.memory_space<vmem>>[vector<16xi32>], vector<16xf32>,
      %gather3A_230 = tpu.vector_load_idx %arg22[%get3A_228] : memref<1000xf32, #tpu.memory_space<vmem>>[vector<16xi32>], vector<16xf32>,
      %add3A_231 = arith.addf %gather3A, %gather3A_230 : vector<16xf32>
      %swap3A = arith.index_cast %mul3A_223 : i32 to index
      %swap3A_232 = tpu.vector_load %arg18[%swap3A] {strides = array<i32>} : memref<512xf32, #tpu.memory_space<vmem>>, vector<16xf32>,
      tpu.vector_store %arg18[%swap3A], %add3A_231 {strides = array<i32>} : memref<512xf32, #tpu.memory_space<vmem>>, vector<16xf32>,
      %mul3A_233 = arith.mulf %gather3A, %gather3A_230 : vector<16xf32>
      %div3A = arith.divf %gather3A_229, %mul3A_233 : vector<16xf32>
      %swap3A_234 = arith.index_cast %mul3A_223 : i32 to index
      %swap3A_235 = tpu.vector_load %arg19[%swap3A_234] {strides = array<i32>} : memref<512xf32, #tpu.memory_space<vmem>>, vector<16xf32>,
      tpu.vector_store %arg19[%swap3A_234], %div3A {strides = array<i32>} : memref<512xf32, #tpu.memory_space<vmem>>, vector<16xf32>,
      %scan3A_236 = arith.constant 1 : i32
      %scan3A_237 = arith.addi %scan3A_217, %scan3A_236 : i32
      %mul3A_238 = arith.constant 1 : i32
      %mul3A_239 = arith.muli %scan3A_237, %mul3A_238 : i32
      %add3A_240 = arith.constant 0 : i32
      %add3A_241 = arith.addi %add3A_240, %mul3A_239 : i32
      %mul3A_242 = arith.constant 16 : i32
      %mul3A_243 = arith.muli %add3A_241, %mul3A_242 : i32
      %get3A_244 = arith.index_cast %mul3A_243 : i32 to index
      %get3A_245 = tpu.vector_load %arg11[%get3A_244] {strides = array<i32>} : memref<512xi32, #tpu.memory_space<vmem>>, vector<16xi32>,
      %get3A_246 = arith.index_cast %mul3A_243 : i32 to index
      %get3A_247 = tpu.vector_load %arg12[%get3A_246] {strides = array<i32>} : memref<512xi32, #tpu.memory_space<vmem>>, vector<16xi32>,
      %get3A_248 = arith.index_cast %mul3A_243 : i32 to index
      %get3A_249 = tpu.vector_load %arg13[%get3A_248] {strides = array<i32>} : memref<512xi32, #tpu.memory_space<vmem>>, vector<16xi32>,
      %gather3A_250 = tpu.vector_load_idx %arg20[%get3A_245] : memref<1000xf32, #tpu.memory_space<vmem>>[vector<16xi32>], vector<16xf32>,
      %gather3A_251 = tpu.vector_load_idx %arg21[%get3A_247] : memref<1000xf32, #tpu.memory_space<vmem>>[vector<16xi32>], vector<16xf32>,
      %gather3A_252 = tpu.vector_load_idx %arg22[%get3A_249] : memref<1000xf32, #tpu.memory_space<vmem>>[vector<16xi32>], vector<16xf32>,
      %add3A_253 = arith.addf %gather3A_250, %gather3A_252 : vector<16xf32>
      %swap3A_254 = arith.index_cast %mul3A_243 : i32 to index
      %swap3A_255 = tpu.vector_load %arg18[%swap3A_254] {strides = array<i32>} : memref<512xf32, #tpu.memory_space<vmem>>, vector<16xf32>,
      tpu.vector_store %arg18[%swap3A_254], %add3A_253 {strides = array<i32>} : memref<512xf32, #tpu.memory_space<vmem>>, vector<16xf32>,
      %mul3A_256 = arith.mulf %gather3A_250, %gather3A_252 : vector<16xf32>
      %div3A_257 = arith.divf %gather3A_251, %mul3A_256 : vector<16xf32>
      %swap3A_258 = arith.index_cast %mul3A_243 : i32 to index
      %swap3A_259 = tpu.vector_load %arg19[%swap3A_258] {strides = array<i32>} : memref<512xf32, #tpu.memory_space<vmem>>, vector<16xf32>,
      tpu.vector_store %arg19[%swap3A_258], %div3A_257 {strides = array<i32>} : memref<512xf32, #tpu.memory_space<vmem>>, vector<16xf32>,
    }
    %scan3A_116 = arith.constant 32 : i32
    %dma_wait3A_117 = arith.constant 0 : i32
    %dma_wait3A_118 = arith.constant 0 : i32
    %dma_wait3A_119 = arith.constant 0 : i32
    %dma_wait3A_120 = tpu.memref_slice %arg16[%dma_wait3A_118, %dma_wait3A_119] : memref<4x128xf32, #tpu.memory_space<vmem>> -> memref<1x128xf32, #tpu.memory_space<vmem>>
    %dma_wait3A_121 = tpu.memref_squeeze %dma_wait3A_120 : memref<1x128xf32, #tpu.memory_space<vmem>> -> memref<128xf32, #tpu.memory_space<vmem>>
    %dma_wait3A_122 = arith.constant 0 : i32
    %dma_wait3A_123 = tpu.memref_slice %arg14[%dma_wait3A_117, %dma_wait3A_122] : memref<4x128xi32, #tpu.memory_space<vmem>> -> memref<1x128xi32, #tpu.memory_space<vmem>>
    %dma_wait3A_124 = tpu.memref_squeeze %dma_wait3A_123 : memref<1x128xi32, #tpu.memory_space<vmem>> -> memref<128xi32, #tpu.memory_space<vmem>>
    %dma_wait3A_125 = arith.constant 0 : i32
    %dma_wait3A_126 = tpu.memref_slice %arg8[%dma_wait3A_125] : memref<1000000xf32, #tpu.memory_space<hbm>> -> memref<1000000xf32, #tpu.memory_space<hbm>>
    tpu.wait_indirect_dma semaphore(%arg26 : memref<!tpu.dma_semaphore, #tpu.memory_space<semaphore_mem>>) src(%dma_wait3A_126 : memref<1000000xf32, #tpu.memory_space<hbm>>) dst(%dma_wait3A_121 : memref<128xf32, #tpu.memory_space<vmem>>)
    %dma_wait3A_127 = arith.constant 0 : i32
    %dma_wait3A_128 = arith.constant 0 : i32
    %dma_wait3A_129 = arith.constant 0 : i32
    %dma_wait3A_130 = tpu.memref_slice %arg17[%dma_wait3A_128, %dma_wait3A_129] : memref<4x128xf32, #tpu.memory_space<vmem>> -> memref<1x128xf32, #tpu.memory_space<vmem>>
    %dma_wait3A_131 = tpu.memref_squeeze %dma_wait3A_130 : memref<1x128xf32, #tpu.memory_space<vmem>> -> memref<128xf32, #tpu.memory_space<vmem>>
    %dma_wait3A_132 = arith.constant 0 : i32
    %dma_wait3A_133 = tpu.memref_slice %arg15[%dma_wait3A_127, %dma_wait3A_132] : memref<4x128xi32, #tpu.memory_space<vmem>> -> memref<1x128xi32, #tpu.memory_space<vmem>>
    %dma_wait3A_134 = tpu.memref_squeeze %dma_wait3A_133 : memref<1x128xi32, #tpu.memory_space<vmem>> -> memref<128xi32, #tpu.memory_space<vmem>>
    %dma_wait3A_135 = arith.constant 0 : i32
    %dma_wait3A_136 = tpu.memref_slice %arg9[%dma_wait3A_135] : memref<1000000xf32, #tpu.memory_space<hbm>> -> memref<1000000xf32, #tpu.memory_space<hbm>>
    tpu.wait_indirect_dma semaphore(%arg26 : memref<!tpu.dma_semaphore, #tpu.memory_space<semaphore_mem>>) src(%dma_wait3A_136 : memref<1000000xf32, #tpu.memory_space<hbm>>) dst(%dma_wait3A_131 : memref<128xf32, #tpu.memory_space<vmem>>)
    %scan3A_137 = arith.constant 0 : i32
    %scan3A_138 = arith.constant 8 : i32
    %scan3A_139 = arith.addi %scan3A_137, %scan3A_138 : i32
    %scan3A_140 = arith.constant 2 : i32
    scf.for %scan3A_217 = %scan3A_137 to %scan3A_139 step %scan3A_140  : i32 {
      %mul3A_218 = arith.constant 1 : i32
      %mul3A_219 = arith.muli %scan3A_217, %mul3A_218 : i32
      %add3A_220 = arith.constant 0 : i32
      %add3A_221 = arith.addi %add3A_220, %mul3A_219 : i32
      %mul3A_222 = arith.constant 16 : i32
      %mul3A_223 = arith.muli %add3A_221, %mul3A_222 : i32
      %add3A_224 = arith.constant 0 : i32
      %add3A_225 = arith.addi %add3A_224, %mul3A_223 : i32
      %mul3A_226 = arith.constant 16 : i32
      %mul3A_227 = arith.muli %add3A_221, %mul3A_226 : i32
      %get3A = arith.constant 0 : i32
      %get3A_228 = arith.index_cast %get3A : i32 to index
      %get3A_229 = arith.index_cast %mul3A_227 : i32 to index
      %get3A_230 = tpu.vector_load %arg16[%get3A_228, %get3A_229] {strides = array<i32>} : memref<4x128xf32, #tpu.memory_space<vmem>>, vector<16xf32>,
      %get3A_231 = arith.constant 0 : i32
      %get3A_232 = arith.index_cast %get3A_231 : i32 to index
      %get3A_233 = arith.index_cast %mul3A_227 : i32 to index
      %get3A_234 = tpu.vector_load %arg17[%get3A_232, %get3A_233] {strides = array<i32>} : memref<4x128xf32, #tpu.memory_space<vmem>>, vector<16xf32>,
      %get3A_235 = arith.index_cast %add3A_225 : i32 to index
      %get3A_236 = tpu.vector_load %arg18[%get3A_235] {strides = array<i32>} : memref<512xf32, #tpu.memory_space<vmem>>, vector<16xf32>,
      %mul3A_237 = arith.mulf %get3A_230, %get3A_234 : vector<16xf32>
      %get3A_238 = arith.index_cast %add3A_225 : i32 to index
      %get3A_239 = tpu.vector_load %arg19[%get3A_238] {strides = array<i32>} : memref<512xf32, #tpu.memory_space<vmem>>, vector<16xf32>,
      %mul3A_240 = arith.mulf %mul3A_237, %get3A_239 : vector<16xf32>
      %add3A_241 = arith.addf %get3A_236, %mul3A_240 : vector<16xf32>
      %swap3A = arith.index_cast %add3A_225 : i32 to index
      %swap3A_242 = tpu.vector_load %arg23[%swap3A] {strides = array<i32>} : memref<512xf32, #tpu.memory_space<vmem>>, vector<16xf32>,
      tpu.vector_store %arg23[%swap3A], %add3A_241 {strides = array<i32>} : memref<512xf32, #tpu.memory_space<vmem>>, vector<16xf32>,
      %scan3A_243 = arith.constant 1 : i32
      %scan3A_244 = arith.addi %scan3A_217, %scan3A_243 : i32
      %mul3A_245 = arith.constant 1 : i32
      %mul3A_246 = arith.muli %scan3A_244, %mul3A_245 : i32
      %add3A_247 = arith.constant 0 : i32
      %add3A_248 = arith.addi %add3A_247, %mul3A_246 : i32
      %mul3A_249 = arith.constant 16 : i32
      %mul3A_250 = arith.muli %add3A_248, %mul3A_249 : i32
      %add3A_251 = arith.constant 0 : i32
      %add3A_252 = arith.addi %add3A_251, %mul3A_250 : i32
      %mul3A_253 = arith.constant 16 : i32
      %mul3A_254 = arith.muli %add3A_248, %mul3A_253 : i32
      %get3A_255 = arith.constant 0 : i32
      %get3A_256 = arith.index_cast %get3A_255 : i32 to index
      %get3A_257 = arith.index_cast %mul3A_254 : i32 to index
      %get3A_258 = tpu.vector_load %arg16[%get3A_256, %get3A_257] {strides = array<i32>} : memref<4x128xf32, #tpu.memory_space<vmem>>, vector<16xf32>,
      %get3A_259 = arith.constant 0 : i32
      %get3A_260 = arith.index_cast %get3A_259 : i32 to index
      %get3A_261 = arith.index_cast %mul3A_254 : i32 to index
      %get3A_262 = tpu.vector_load %arg17[%get3A_260, %get3A_261] {strides = array<i32>} : memref<4x128xf32, #tpu.memory_space<vmem>>, vector<16xf32>,
      %get3A_263 = arith.index_cast %add3A_252 : i32 to index
      %get3A_264 = tpu.vector_load %arg18[%get3A_263] {strides = array<i32>} : memref<512xf32, #tpu.memory_space<vmem>>, vector<16xf32>,
      %mul3A_265 = arith.mulf %get3A_258, %get3A_262 : vector<16xf32>
      %get3A_266 = arith.index_cast %add3A_252 : i32 to index
      %get3A_267 = tpu.vector_load %arg19[%get3A_266] {strides = array<i32>} : memref<512xf32, #tpu.memory_space<vmem>>, vector<16xf32>,
      %mul3A_268 = arith.mulf %mul3A_265, %get3A_267 : vector<16xf32>
      %add3A_269 = arith.addf %get3A_264, %mul3A_268 : vector<16xf32>
      %swap3A_270 = arith.index_cast %add3A_252 : i32 to index
      %swap3A_271 = tpu.vector_load %arg23[%swap3A_270] {strides = array<i32>} : memref<512xf32, #tpu.memory_space<vmem>>, vector<16xf32>,
      tpu.vector_store %arg23[%swap3A_270], %add3A_269 {strides = array<i32>} : memref<512xf32, #tpu.memory_space<vmem>>, vector<16xf32>,
    }
    %scan3A_141 = arith.constant 8 : i32
    %dma_wait3A_142 = arith.constant 1 : i32
    %dma_wait3A_143 = arith.constant 1 : i32
    %dma_wait3A_144 = arith.constant 0 : i32
    %dma_wait3A_145 = tpu.memref_slice %arg16[%dma_wait3A_143, %dma_wait3A_144] : memref<4x128xf32, #tpu.memory_space<vmem>> -> memref<1x128xf32, #tpu.memory_space<vmem>>
    %dma_wait3A_146 = tpu.memref_squeeze %dma_wait3A_145 : memref<1x128xf32, #tpu.memory_space<vmem>> -> memref<128xf32, #tpu.memory_space<vmem>>
    %dma_wait3A_147 = arith.constant 0 : i32
    %dma_wait3A_148 = tpu.memref_slice %arg14[%dma_wait3A_142, %dma_wait3A_147] : memref<4x128xi32, #tpu.memory_space<vmem>> -> memref<1x128xi32, #tpu.memory_space<vmem>>
    %dma_wait3A_149 = tpu.memref_squeeze %dma_wait3A_148 : memref<1x128xi32, #tpu.memory_space<vmem>> -> memref<128xi32, #tpu.memory_space<vmem>>
    %dma_wait3A_150 = arith.constant 0 : i32
    %dma_wait3A_151 = tpu.memref_slice %arg8[%dma_wait3A_150] : memref<1000000xf32, #tpu.memory_space<hbm>> -> memref<1000000xf32, #tpu.memory_space<hbm>>
    tpu.wait_indirect_dma semaphore(%arg27 : memref<!tpu.dma_semaphore, #tpu.memory_space<semaphore_mem>>) src(%dma_wait3A_151 : memref<1000000xf32, #tpu.memory_space<hbm>>) dst(%dma_wait3A_146 : memref<128xf32, #tpu.memory_space<vmem>>)
    %dma_wait3A_152 = arith.constant 1 : i32
    %dma_wait3A_153 = arith.constant 1 : i32
    %dma_wait3A_154 = arith.constant 0 : i32
    %dma_wait3A_155 = tpu.memref_slice %arg17[%dma_wait3A_153, %dma_wait3A_154] : memref<4x128xf32, #tpu.memory_space<vmem>> -> memref<1x128xf32, #tpu.memory_space<vmem>>
    %dma_wait3A_156 = tpu.memref_squeeze %dma_wait3A_155 : memref<1x128xf32, #tpu.memory_space<vmem>> -> memref<128xf32, #tpu.memory_space<vmem>>
    %dma_wait3A_157 = arith.constant 0 : i32
    %dma_wait3A_158 = tpu.memref_slice %arg15[%dma_wait3A_152, %dma_wait3A_157] : memref<4x128xi32, #tpu.memory_space<vmem>> -> memref<1x128xi32, #tpu.memory_space<vmem>>
    %dma_wait3A_159 = tpu.memref_squeeze %dma_wait3A_158 : memref<1x128xi32, #tpu.memory_space<vmem>> -> memref<128xi32, #tpu.memory_space<vmem>>
    %dma_wait3A_160 = arith.constant 0 : i32
    %dma_wait3A_161 = tpu.memref_slice %arg9[%dma_wait3A_160] : memref<1000000xf32, #tpu.memory_space<hbm>> -> memref<1000000xf32, #tpu.memory_space<hbm>>
    tpu.wait_indirect_dma semaphore(%arg27 : memref<!tpu.dma_semaphore, #tpu.memory_space<semaphore_mem>>) src(%dma_wait3A_161 : memref<1000000xf32, #tpu.memory_space<hbm>>) dst(%dma_wait3A_156 : memref<128xf32, #tpu.memory_space<vmem>>)
    %scan3A_162 = arith.constant 0 : i32
    %scan3A_163 = arith.constant 8 : i32
    %scan3A_164 = arith.addi %scan3A_162, %scan3A_163 : i32
    %scan3A_165 = arith.constant 2 : i32
    scf.for %scan3A_217 = %scan3A_162 to %scan3A_164 step %scan3A_165  : i32 {
      %mul3A_218 = arith.constant 1 : i32
      %mul3A_219 = arith.muli %scan3A_217, %mul3A_218 : i32
      %add3A_220 = arith.constant 0 : i32
      %add3A_221 = arith.addi %add3A_220, %mul3A_219 : i32
      %mul3A_222 = arith.constant 16 : i32
      %mul3A_223 = arith.muli %add3A_221, %mul3A_222 : i32
      %add3A_224 = arith.constant 128 : i32
      %add3A_225 = arith.addi %add3A_224, %mul3A_223 : i32
      %mul3A_226 = arith.constant 16 : i32
      %mul3A_227 = arith.muli %add3A_221, %mul3A_226 : i32
      %get3A = arith.constant 1 : i32
      %get3A_228 = arith.index_cast %get3A : i32 to index
      %get3A_229 = arith.index_cast %mul3A_227 : i32 to index
      %get3A_230 = tpu.vector_load %arg16[%get3A_228, %get3A_229] {strides = array<i32>} : memref<4x128xf32, #tpu.memory_space<vmem>>, vector<16xf32>,
      %get3A_231 = arith.constant 1 : i32
      %get3A_232 = arith.index_cast %get3A_231 : i32 to index
      %get3A_233 = arith.index_cast %mul3A_227 : i32 to index
      %get3A_234 = tpu.vector_load %arg17[%get3A_232, %get3A_233] {strides = array<i32>} : memref<4x128xf32, #tpu.memory_space<vmem>>, vector<16xf32>,
      %get3A_235 = arith.index_cast %add3A_225 : i32 to index
      %get3A_236 = tpu.vector_load %arg18[%get3A_235] {strides = array<i32>} : memref<512xf32, #tpu.memory_space<vmem>>, vector<16xf32>,
      %mul3A_237 = arith.mulf %get3A_230, %get3A_234 : vector<16xf32>
      %get3A_238 = arith.index_cast %add3A_225 : i32 to index
      %get3A_239 = tpu.vector_load %arg19[%get3A_238] {strides = array<i32>} : memref<512xf32, #tpu.memory_space<vmem>>, vector<16xf32>,
      %mul3A_240 = arith.mulf %mul3A_237, %get3A_239 : vector<16xf32>
      %add3A_241 = arith.addf %get3A_236, %mul3A_240 : vector<16xf32>
      %swap3A = arith.index_cast %add3A_225 : i32 to index
      %swap3A_242 = tpu.vector_load %arg23[%swap3A] {strides = array<i32>} : memref<512xf32, #tpu.memory_space<vmem>>, vector<16xf32>,
      tpu.vector_store %arg23[%swap3A], %add3A_241 {strides = array<i32>} : memref<512xf32, #tpu.memory_space<vmem>>, vector<16xf32>,
      %scan3A_243 = arith.constant 1 : i32
      %scan3A_244 = arith.addi %scan3A_217, %scan3A_243 : i32
      %mul3A_245 = arith.constant 1 : i32
      %mul3A_246 = arith.muli %scan3A_244, %mul3A_245 : i32
      %add3A_247 = arith.constant 0 : i32
      %add3A_248 = arith.addi %add3A_247, %mul3A_246 : i32
      %mul3A_249 = arith.constant 16 : i32
      %mul3A_250 = arith.muli %add3A_248, %mul3A_249 : i32
      %add3A_251 = arith.constant 128 : i32
      %add3A_252 = arith.addi %add3A_251, %mul3A_250 : i32
      %mul3A_253 = arith.constant 16 : i32
      %mul3A_254 = arith.muli %add3A_248, %mul3A_253 : i32
      %get3A_255 = arith.constant 1 : i32
      %get3A_256 = arith.index_cast %get3A_255 : i32 to index
      %get3A_257 = arith.index_cast %mul3A_254 : i32 to index
      %get3A_258 = tpu.vector_load %arg16[%get3A_256, %get3A_257] {strides = array<i32>} : memref<4x128xf32, #tpu.memory_space<vmem>>, vector<16xf32>,
      %get3A_259 = arith.constant 1 : i32
      %get3A_260 = arith.index_cast %get3A_259 : i32 to index
      %get3A_261 = arith.index_cast %mul3A_254 : i32 to index
      %get3A_262 = tpu.vector_load %arg17[%get3A_260, %get3A_261] {strides = array<i32>} : memref<4x128xf32, #tpu.memory_space<vmem>>, vector<16xf32>,
      %get3A_263 = arith.index_cast %add3A_252 : i32 to index
      %get3A_264 = tpu.vector_load %arg18[%get3A_263] {strides = array<i32>} : memref<512xf32, #tpu.memory_space<vmem>>, vector<16xf32>,
      %mul3A_265 = arith.mulf %get3A_258, %get3A_262 : vector<16xf32>
      %get3A_266 = arith.index_cast %add3A_252 : i32 to index
      %get3A_267 = tpu.vector_load %arg19[%get3A_266] {strides = array<i32>} : memref<512xf32, #tpu.memory_space<vmem>>, vector<16xf32>,
      %mul3A_268 = arith.mulf %mul3A_265, %get3A_267 : vector<16xf32>
      %add3A_269 = arith.addf %get3A_264, %mul3A_268 : vector<16xf32>
      %swap3A_270 = arith.index_cast %add3A_252 : i32 to index
      %swap3A_271 = tpu.vector_load %arg23[%swap3A_270] {strides = array<i32>} : memref<512xf32, #tpu.memory_space<vmem>>, vector<16xf32>,
      tpu.vector_store %arg23[%swap3A_270], %add3A_269 {strides = array<i32>} : memref<512xf32, #tpu.memory_space<vmem>>, vector<16xf32>,
    }
    %scan3A_166 = arith.constant 8 : i32
    %dma_wait3A_167 = arith.constant 2 : i32
    %dma_wait3A_168 = arith.constant 2 : i32
    %dma_wait3A_169 = arith.constant 0 : i32
    %dma_wait3A_170 = tpu.memref_slice %arg16[%dma_wait3A_168, %dma_wait3A_169] : memref<4x128xf32, #tpu.memory_space<vmem>> -> memref<1x128xf32, #tpu.memory_space<vmem>>
    %dma_wait3A_171 = tpu.memref_squeeze %dma_wait3A_170 : memref<1x128xf32, #tpu.memory_space<vmem>> -> memref<128xf32, #tpu.memory_space<vmem>>
    %dma_wait3A_172 = arith.constant 0 : i32
    %dma_wait3A_173 = tpu.memref_slice %arg14[%dma_wait3A_167, %dma_wait3A_172] : memref<4x128xi32, #tpu.memory_space<vmem>> -> memref<1x128xi32, #tpu.memory_space<vmem>>
    %dma_wait3A_174 = tpu.memref_squeeze %dma_wait3A_173 : memref<1x128xi32, #tpu.memory_space<vmem>> -> memref<128xi32, #tpu.memory_space<vmem>>
    %dma_wait3A_175 = arith.constant 0 : i32
    %dma_wait3A_176 = tpu.memref_slice %arg8[%dma_wait3A_175] : memref<1000000xf32, #tpu.memory_space<hbm>> -> memref<1000000xf32, #tpu.memory_space<hbm>>
    tpu.wait_indirect_dma semaphore(%arg28 : memref<!tpu.dma_semaphore, #tpu.memory_space<semaphore_mem>>) src(%dma_wait3A_176 : memref<1000000xf32, #tpu.memory_space<hbm>>) dst(%dma_wait3A_171 : memref<128xf32, #tpu.memory_space<vmem>>)
    %dma_wait3A_177 = arith.constant 2 : i32
    %dma_wait3A_178 = arith.constant 2 : i32
    %dma_wait3A_179 = arith.constant 0 : i32
    %dma_wait3A_180 = tpu.memref_slice %arg17[%dma_wait3A_178, %dma_wait3A_179] : memref<4x128xf32, #tpu.memory_space<vmem>> -> memref<1x128xf32, #tpu.memory_space<vmem>>
    %dma_wait3A_181 = tpu.memref_squeeze %dma_wait3A_180 : memref<1x128xf32, #tpu.memory_space<vmem>> -> memref<128xf32, #tpu.memory_space<vmem>>
    %dma_wait3A_182 = arith.constant 0 : i32
    %dma_wait3A_183 = tpu.memref_slice %arg15[%dma_wait3A_177, %dma_wait3A_182] : memref<4x128xi32, #tpu.memory_space<vmem>> -> memref<1x128xi32, #tpu.memory_space<vmem>>
    %dma_wait3A_184 = tpu.memref_squeeze %dma_wait3A_183 : memref<1x128xi32, #tpu.memory_space<vmem>> -> memref<128xi32, #tpu.memory_space<vmem>>
    %dma_wait3A_185 = arith.constant 0 : i32
    %dma_wait3A_186 = tpu.memref_slice %arg9[%dma_wait3A_185] : memref<1000000xf32, #tpu.memory_space<hbm>> -> memref<1000000xf32, #tpu.memory_space<hbm>>
    tpu.wait_indirect_dma semaphore(%arg28 : memref<!tpu.dma_semaphore, #tpu.memory_space<semaphore_mem>>) src(%dma_wait3A_186 : memref<1000000xf32, #tpu.memory_space<hbm>>) dst(%dma_wait3A_181 : memref<128xf32, #tpu.memory_space<vmem>>)
    %scan3A_187 = arith.constant 0 : i32
    %scan3A_188 = arith.constant 8 : i32
    %scan3A_189 = arith.addi %scan3A_187, %scan3A_188 : i32
    %scan3A_190 = arith.constant 2 : i32
    scf.for %scan3A_217 = %scan3A_187 to %scan3A_189 step %scan3A_190  : i32 {
      %mul3A_218 = arith.constant 1 : i32
      %mul3A_219 = arith.muli %scan3A_217, %mul3A_218 : i32
      %add3A_220 = arith.constant 0 : i32
      %add3A_221 = arith.addi %add3A_220, %mul3A_219 : i32
      %mul3A_222 = arith.constant 16 : i32
      %mul3A_223 = arith.muli %add3A_221, %mul3A_222 : i32
      %add3A_224 = arith.constant 256 : i32
      %add3A_225 = arith.addi %add3A_224, %mul3A_223 : i32
      %mul3A_226 = arith.constant 16 : i32
      %mul3A_227 = arith.muli %add3A_221, %mul3A_226 : i32
      %get3A = arith.constant 2 : i32
      %get3A_228 = arith.index_cast %get3A : i32 to index
      %get3A_229 = arith.index_cast %mul3A_227 : i32 to index
      %get3A_230 = tpu.vector_load %arg16[%get3A_228, %get3A_229] {strides = array<i32>} : memref<4x128xf32, #tpu.memory_space<vmem>>, vector<16xf32>,
      %get3A_231 = arith.constant 2 : i32
      %get3A_232 = arith.index_cast %get3A_231 : i32 to index
      %get3A_233 = arith.index_cast %mul3A_227 : i32 to index
      %get3A_234 = tpu.vector_load %arg17[%get3A_232, %get3A_233] {strides = array<i32>} : memref<4x128xf32, #tpu.memory_space<vmem>>, vector<16xf32>,
      %get3A_235 = arith.index_cast %add3A_225 : i32 to index
      %get3A_236 = tpu.vector_load %arg18[%get3A_235] {strides = array<i32>} : memref<512xf32, #tpu.memory_space<vmem>>, vector<16xf32>,
      %mul3A_237 = arith.mulf %get3A_230, %get3A_234 : vector<16xf32>
      %get3A_238 = arith.index_cast %add3A_225 : i32 to index
      %get3A_239 = tpu.vector_load %arg19[%get3A_238] {strides = array<i32>} : memref<512xf32, #tpu.memory_space<vmem>>, vector<16xf32>,
      %mul3A_240 = arith.mulf %mul3A_237, %get3A_239 : vector<16xf32>
      %add3A_241 = arith.addf %get3A_236, %mul3A_240 : vector<16xf32>
      %swap3A = arith.index_cast %add3A_225 : i32 to index
      %swap3A_242 = tpu.vector_load %arg23[%swap3A] {strides = array<i32>} : memref<512xf32, #tpu.memory_space<vmem>>, vector<16xf32>,
      tpu.vector_store %arg23[%swap3A], %add3A_241 {strides = array<i32>} : memref<512xf32, #tpu.memory_space<vmem>>, vector<16xf32>,
      %scan3A_243 = arith.constant 1 : i32
      %scan3A_244 = arith.addi %scan3A_217, %scan3A_243 : i32
      %mul3A_245 = arith.constant 1 : i32
      %mul3A_246 = arith.muli %scan3A_244, %mul3A_245 : i32
      %add3A_247 = arith.constant 0 : i32
      %add3A_248 = arith.addi %add3A_247, %mul3A_246 : i32
      %mul3A_249 = arith.constant 16 : i32
      %mul3A_250 = arith.muli %add3A_248, %mul3A_249 : i32
      %add3A_251 = arith.constant 256 : i32
      %add3A_252 = arith.addi %add3A_251, %mul3A_250 : i32
      %mul3A_253 = arith.constant 16 : i32
      %mul3A_254 = arith.muli %add3A_248, %mul3A_253 : i32
      %get3A_255 = arith.constant 2 : i32
      %get3A_256 = arith.index_cast %get3A_255 : i32 to index
      %get3A_257 = arith.index_cast %mul3A_254 : i32 to index
      %get3A_258 = tpu.vector_load %arg16[%get3A_256, %get3A_257] {strides = array<i32>} : memref<4x128xf32, #tpu.memory_space<vmem>>, vector<16xf32>,
      %get3A_259 = arith.constant 2 : i32
      %get3A_260 = arith.index_cast %get3A_259 : i32 to index
      %get3A_261 = arith.index_cast %mul3A_254 : i32 to index
      %get3A_262 = tpu.vector_load %arg17[%get3A_260, %get3A_261] {strides = array<i32>} : memref<4x128xf32, #tpu.memory_space<vmem>>, vector<16xf32>,
      %get3A_263 = arith.index_cast %add3A_252 : i32 to index
      %get3A_264 = tpu.vector_load %arg18[%get3A_263] {strides = array<i32>} : memref<512xf32, #tpu.memory_space<vmem>>, vector<16xf32>,
      %mul3A_265 = arith.mulf %get3A_258, %get3A_262 : vector<16xf32>
      %get3A_266 = arith.index_cast %add3A_252 : i32 to index
      %get3A_267 = tpu.vector_load %arg19[%get3A_266] {strides = array<i32>} : memref<512xf32, #tpu.memory_space<vmem>>, vector<16xf32>,
      %mul3A_268 = arith.mulf %mul3A_265, %get3A_267 : vector<16xf32>
      %add3A_269 = arith.addf %get3A_264, %mul3A_268 : vector<16xf32>
      %swap3A_270 = arith.index_cast %add3A_252 : i32 to index
      %swap3A_271 = tpu.vector_load %arg23[%swap3A_270] {strides = array<i32>} : memref<512xf32, #tpu.memory_space<vmem>>, vector<16xf32>,
      tpu.vector_store %arg23[%swap3A_270], %add3A_269 {strides = array<i32>} : memref<512xf32, #tpu.memory_space<vmem>>, vector<16xf32>,
    }
    %scan3A_191 = arith.constant 8 : i32
    %dma_wait3A_192 = arith.constant 3 : i32
    %dma_wait3A_193 = arith.constant 3 : i32
    %dma_wait3A_194 = arith.constant 0 : i32
    %dma_wait3A_195 = tpu.memref_slice %arg16[%dma_wait3A_193, %dma_wait3A_194] : memref<4x128xf32, #tpu.memory_space<vmem>> -> memref<1x128xf32, #tpu.memory_space<vmem>>
    %dma_wait3A_196 = tpu.memref_squeeze %dma_wait3A_195 : memref<1x128xf32, #tpu.memory_space<vmem>> -> memref<128xf32, #tpu.memory_space<vmem>>
    %dma_wait3A_197 = arith.constant 0 : i32
    %dma_wait3A_198 = tpu.memref_slice %arg14[%dma_wait3A_192, %dma_wait3A_197] : memref<4x128xi32, #tpu.memory_space<vmem>> -> memref<1x128xi32, #tpu.memory_space<vmem>>
    %dma_wait3A_199 = tpu.memref_squeeze %dma_wait3A_198 : memref<1x128xi32, #tpu.memory_space<vmem>> -> memref<128xi32, #tpu.memory_space<vmem>>
    %dma_wait3A_200 = arith.constant 0 : i32
    %dma_wait3A_201 = tpu.memref_slice %arg8[%dma_wait3A_200] : memref<1000000xf32, #tpu.memory_space<hbm>> -> memref<1000000xf32, #tpu.memory_space<hbm>>
    tpu.wait_indirect_dma semaphore(%arg29 : memref<!tpu.dma_semaphore, #tpu.memory_space<semaphore_mem>>) src(%dma_wait3A_201 : memref<1000000xf32, #tpu.memory_space<hbm>>) dst(%dma_wait3A_196 : memref<128xf32, #tpu.memory_space<vmem>>)
    %dma_wait3A_202 = arith.constant 3 : i32
    %dma_wait3A_203 = arith.constant 3 : i32
    %dma_wait3A_204 = arith.constant 0 : i32
    %dma_wait3A_205 = tpu.memref_slice %arg17[%dma_wait3A_203, %dma_wait3A_204] : memref<4x128xf32, #tpu.memory_space<vmem>> -> memref<1x128xf32, #tpu.memory_space<vmem>>
    %dma_wait3A_206 = tpu.memref_squeeze %dma_wait3A_205 : memref<1x128xf32, #tpu.memory_space<vmem>> -> memref<128xf32, #tpu.memory_space<vmem>>
    %dma_wait3A_207 = arith.constant 0 : i32
    %dma_wait3A_208 = tpu.memref_slice %arg15[%dma_wait3A_202, %dma_wait3A_207] : memref<4x128xi32, #tpu.memory_space<vmem>> -> memref<1x128xi32, #tpu.memory_space<vmem>>
    %dma_wait3A_209 = tpu.memref_squeeze %dma_wait3A_208 : memref<1x128xi32, #tpu.memory_space<vmem>> -> memref<128xi32, #tpu.memory_space<vmem>>
    %dma_wait3A_210 = arith.constant 0 : i32
    %dma_wait3A_211 = tpu.memref_slice %arg9[%dma_wait3A_210] : memref<1000000xf32, #tpu.memory_space<hbm>> -> memref<1000000xf32, #tpu.memory_space<hbm>>
    tpu.wait_indirect_dma semaphore(%arg29 : memref<!tpu.dma_semaphore, #tpu.memory_space<semaphore_mem>>) src(%dma_wait3A_211 : memref<1000000xf32, #tpu.memory_space<hbm>>) dst(%dma_wait3A_206 : memref<128xf32, #tpu.memory_space<vmem>>)
    %scan3A_212 = arith.constant 0 : i32
    %scan3A_213 = arith.constant 8 : i32
    %scan3A_214 = arith.addi %scan3A_212, %scan3A_213 : i32
    %scan3A_215 = arith.constant 2 : i32
    scf.for %scan3A_217 = %scan3A_212 to %scan3A_214 step %scan3A_215  : i32 {
      %mul3A_218 = arith.constant 1 : i32
      %mul3A_219 = arith.muli %scan3A_217, %mul3A_218 : i32
      %add3A_220 = arith.constant 0 : i32
      %add3A_221 = arith.addi %add3A_220, %mul3A_219 : i32
      %mul3A_222 = arith.constant 16 : i32
      %mul3A_223 = arith.muli %add3A_221, %mul3A_222 : i32
      %add3A_224 = arith.constant 384 : i32
      %add3A_225 = arith.addi %add3A_224, %mul3A_223 : i32
      %mul3A_226 = arith.constant 16 : i32
      %mul3A_227 = arith.muli %add3A_221, %mul3A_226 : i32
      %get3A = arith.constant 3 : i32
      %get3A_228 = arith.index_cast %get3A : i32 to index
      %get3A_229 = arith.index_cast %mul3A_227 : i32 to index
      %get3A_230 = tpu.vector_load %arg16[%get3A_228, %get3A_229] {strides = array<i32>} : memref<4x128xf32, #tpu.memory_space<vmem>>, vector<16xf32>,
      %get3A_231 = arith.constant 3 : i32
      %get3A_232 = arith.index_cast %get3A_231 : i32 to index
      %get3A_233 = arith.index_cast %mul3A_227 : i32 to index
      %get3A_234 = tpu.vector_load %arg17[%get3A_232, %get3A_233] {strides = array<i32>} : memref<4x128xf32, #tpu.memory_space<vmem>>, vector<16xf32>,
      %get3A_235 = arith.index_cast %add3A_225 : i32 to index
      %get3A_236 = tpu.vector_load %arg18[%get3A_235] {strides = array<i32>} : memref<512xf32, #tpu.memory_space<vmem>>, vector<16xf32>,
      %mul3A_237 = arith.mulf %get3A_230, %get3A_234 : vector<16xf32>
      %get3A_238 = arith.index_cast %add3A_225 : i32 to index
      %get3A_239 = tpu.vector_load %arg19[%get3A_238] {strides = array<i32>} : memref<512xf32, #tpu.memory_space<vmem>>, vector<16xf32>,
      %mul3A_240 = arith.mulf %mul3A_237, %get3A_239 : vector<16xf32>
      %add3A_241 = arith.addf %get3A_236, %mul3A_240 : vector<16xf32>
      %swap3A = arith.index_cast %add3A_225 : i32 to index
      %swap3A_242 = tpu.vector_load %arg23[%swap3A] {strides = array<i32>} : memref<512xf32, #tpu.memory_space<vmem>>, vector<16xf32>,
      tpu.vector_store %arg23[%swap3A], %add3A_241 {strides = array<i32>} : memref<512xf32, #tpu.memory_space<vmem>>, vector<16xf32>,
      %scan3A_243 = arith.constant 1 : i32
      %scan3A_244 = arith.addi %scan3A_217, %scan3A_243 : i32
      %mul3A_245 = arith.constant 1 : i32
      %mul3A_246 = arith.muli %scan3A_244, %mul3A_245 : i32
      %add3A_247 = arith.constant 0 : i32
      %add3A_248 = arith.addi %add3A_247, %mul3A_246 : i32
      %mul3A_249 = arith.constant 16 : i32
      %mul3A_250 = arith.muli %add3A_248, %mul3A_249 : i32
      %add3A_251 = arith.constant 384 : i32
      %add3A_252 = arith.addi %add3A_251, %mul3A_250 : i32
      %mul3A_253 = arith.constant 16 : i32
      %mul3A_254 = arith.muli %add3A_248, %mul3A_253 : i32
      %get3A_255 = arith.constant 3 : i32
      %get3A_256 = arith.index_cast %get3A_255 : i32 to index
      %get3A_257 = arith.index_cast %mul3A_254 : i32 to index
      %get3A_258 = tpu.vector_load %arg16[%get3A_256, %get3A_257] {strides = array<i32>} : memref<4x128xf32, #tpu.memory_space<vmem>>, vector<16xf32>,
      %get3A_259 = arith.constant 3 : i32
      %get3A_260 = arith.index_cast %get3A_259 : i32 to index
      %get3A_261 = arith.index_cast %mul3A_254 : i32 to index
      %get3A_262 = tpu.vector_load %arg17[%get3A_260, %get3A_261] {strides = array<i32>} : memref<4x128xf32, #tpu.memory_space<vmem>>, vector<16xf32>,
      %get3A_263 = arith.index_cast %add3A_252 : i32 to index
      %get3A_264 = tpu.vector_load %arg18[%get3A_263] {strides = array<i32>} : memref<512xf32, #tpu.memory_space<vmem>>, vector<16xf32>,
      %mul3A_265 = arith.mulf %get3A_258, %get3A_262 : vector<16xf32>
      %get3A_266 = arith.index_cast %add3A_252 : i32 to index
      %get3A_267 = tpu.vector_load %arg19[%get3A_266] {strides = array<i32>} : memref<512xf32, #tpu.memory_space<vmem>>, vector<16xf32>,
      %mul3A_268 = arith.mulf %mul3A_265, %get3A_267 : vector<16xf32>
      %add3A_269 = arith.addf %get3A_264, %mul3A_268 : vector<16xf32>
      %swap3A_270 = arith.index_cast %add3A_252 : i32 to index
      %swap3A_271 = tpu.vector_load %arg23[%swap3A_270] {strides = array<i32>} : memref<512xf32, #tpu.memory_space<vmem>>, vector<16xf32>,
      tpu.vector_store %arg23[%swap3A_270], %add3A_269 {strides = array<i32>} : memref<512xf32, #tpu.memory_space<vmem>>, vector<16xf32>,
    }
    %scan3A_216 = arith.constant 8 : i32
    "tpu.region"() ({
      %run_scoped3A = tpu.sem_alloc : memref<!tpu.dma_semaphore, #tpu.memory_space<semaphore_mem>>
      %dma_start3A_217 = tpu.memref_slice %arg10[%mul3A_2] : memref<16384xf32, #tpu.memory_space<hbm>> -> memref<512xf32, #tpu.memory_space<hbm>>
      %dma_start3A_218 = tpu.memref_slice %arg10[%mul3A_2] : memref<16384xf32, #tpu.memory_space<hbm>> -> memref<512xf32, #tpu.memory_space<hbm>>
      tpu.enqueue_dma source(%arg23 : memref<512xf32, #tpu.memory_space<vmem>>) target(%dma_start3A_218 : memref<512xf32, #tpu.memory_space<hbm>>) target_semaphore(%run_scoped3A : memref<!tpu.dma_semaphore, #tpu.memory_space<semaphore_mem>>)
      %dma_wait3A_219 = tpu.memref_slice %arg10[%mul3A_2] : memref<16384xf32, #tpu.memory_space<hbm>> -> memref<512xf32, #tpu.memory_space<hbm>>
      %dma_wait3A_220 = tpu.memref_slice %arg10[%mul3A_2] : memref<16384xf32, #tpu.memory_space<hbm>> -> memref<512xf32, #tpu.memory_space<hbm>>
      tpu.wait_dma2 semaphore(%run_scoped3A : memref<!tpu.dma_semaphore, #tpu.memory_space<semaphore_mem>>) src(%arg23 : memref<512xf32, #tpu.memory_space<vmem>>) dst(%dma_wait3A_220 : memref<512xf32, #tpu.memory_space<hbm>>)
      tpu.yield
    }) : () -> ()
    return
  }
}

</mosaic_0001>

<sc_bundles>
// kernel: _run.3.cloned.1.call-start
scs
__scs_entry_jumppad:
0x0: {  	(pc) =	sbr.rel $0x88, $3  }
0x1: {  	(tag) =	ssettag $0x0;
	lr =	simm.s32 $0x1  }
0x2: {  	[smem:$0x3F99] =	sst lr;
	_ =	strace $0xD0000000  }
0x3: {  	_ = 	snop  }
0x4: {  	_ = 	snop  }
0x5: {  	_ = 	snop  }
0x6: {  	_ = 	snop  }
0x7: {  	_ = 	snop  }
__scs_overlays_trampoline_lowered:
0x8: {  	[smem:$0x3FA8] =	sst s0  }
0x9: {  	[smem:$0x3FA9] =	sst s1  }
0xa: {  	[smem:$0x3FAA] =	sst s2  }
0xb: {  	[smem:$0x3FAB] =	sst s3  }
0xc: {  	[smem:$0x3FAC] =	sst s4  }
0xd: {  	[smem:$0x3FAD] =	sst s5  }
0xe: {  	[smem:$0x3FAE] =	sst s6  }
0xf: {  	[smem:$0x3FAF] =	sst s7  }
0x10: {  	[smem:$0x3FB0] =	sst s8  }
0x11: {  	[smem:$0x3FB1] =	sst s9;
	s0 =	simm.s32 @!p0 $0x0  }
0x12: {  	s1 =	sld [smem:$0x3F97];
	s0 =	simm.s32 @p0 $0x1  }
0x13: {  	[smem:$0x3FB2] =	sst s0;
	s0 =	simm.s32 @!p1 $0x0  }
0x14: {  	s2 =	sld [smem:$0x3F96];
	s0 =	simm.s32 @p1 $0x1  }
0x15: {  	[smem:$0x3FB3] =	sst s0;
	s0 =	simm.s32 @!p2 $0x0  }
0x16: {  	s3 =	sld [smem:$0x3FDB];
	s0 =	simm.s32 @p2 $0x1  }
0x17: {  	s4 =	simm.s32 $0x1BF5;
	[smem:$0x3FB5] =	sst s0  }
0x18: {  	s0 =	sld [smem:$0x3F98];
	_ =	swait.ge [sflag:s4], $0x0  }
0x19: {  	s7 =	sld [smem:$0x3F99]  }
0x1a: {  	s8 =	sadd.s32 $0xFFFFE003, lr  }
0x1b: {  	s9 =	sadd.s32 $0xFFFFFEF7, lr;
	s5 =	simm.s32 $0xFFFFFFFF;
	p2 =	slt.u32 s8, $0xFFFFF086  }
0x1c: {  	p1 =	slt.u32 s9, $0xF7A;
	s5 =	simm.s32 @!p2 $0x0  }
0x1d: {  	s5 =	simm.s32 @p1 $0x1;
	p0 =	seq.s32 s7, s2  }
0x1e: {  	s7 =	smul.u32 @!p0 $0xF7A, s2;
	p2 =	seq.s32 @!p0 s5, $0x0  }
0x1f: {  	s9 =	smul.u32 $0xF7A, s1;
	s8 =	simm.s32 @!p0 $0x1BF5;
	p2 =	por !p2, p0  }
0x20: {  	[sflag:s8] =	ssyncset.s32 @!p0 $0xFFFFF086;
	s6 =	sadd.s32 @!p0 s3, s7;
	s7 =	simm.s32 @!p0 $0x108  }
0x21: {  	s3 =	sadd.s32 s3, s9;
	s6 =	sadd.s32 @!p0 $0x88, s6;
	s7 =	simm.s32 @p2 $0x1082  }
0x22: {  	[simem:s7], [sflag:s8] =	dma.local @!p0 [hbm:s6], $0xF7A  }
0x23: {  	s9 =	sor.u32 $0xD0000000, s2;
	s6 =	simm.s32 $0x108;
	_ =	swait.ge @!p0 [sflag:s8], $0x0  }
0x24: {  	s3 =	sadd.s32 $0x88, s3;
	s6 =	simm.s32 @!p1 $0x1082;
	[sflag:s4] =	ssyncset.s32 $0xFFFFF086  }
0x25: {  	[simem:s6], [sflag:s4] =	dma.local [hbm:s3], $0xF7A  }
0x26: {  	[smem:$0x3F99] =	sst s1;
	(tag) =	ssettag s2;
	_ =	strace s9  }
0x27: {  	s1 =	sld [smem:$0x3FA9]  }
0x28: {  	s2 =	sld [smem:$0x3FAA]  }
0x29: {  	s4 =	sld [smem:$0x3FAC]  }
0x2a: {  	p0 =	seq.s32 s5, $0x0;
	s5 =	sld [smem:$0x3FAD]  }
0x2b: {  	s6 =	sld [smem:$0x3FAE]  }
0x2c: {  	s7 =	sld [smem:$0x3FAF]  }
0x2d: {  	s3 =	simm.s32 $0x108;
	s8 =	sld [smem:$0x3FB0]  }
0x2e: {  	s3 =	simm.s32 @!p0 $0x1082;
	s9 =	sld [smem:$0x3FB1]  }
0x2f: {  	lr =	sadd.s32 s0, s3;
	s0 =	sld [smem:$0x3FA8]  }
0x30: {  	s3 =	sld [smem:$0x3FAB]  }
0x31: {  	[smem:$0x3FB4] =	sst s10  }
0x32: {  	s10 =	sld [smem:$0x3FB2];
	_ =	sdelay $0x3  }
0x33: {  	p0 =	seq.s32 s10, $0x1;
	s10 =	sld [smem:$0x3FB4];
	_ =	sdelay $0x3  }
0x34: {  	[smem:$0x3FB4] =	sst s10  }
0x35: {  	s10 =	sld [smem:$0x3FB3];
	_ =	sdelay $0x3  }
0x36: {  	p1 =	seq.s32 s10, $0x1;
	s10 =	sld [smem:$0x3FB4];
	_ =	sdelay $0x3  }
0x37: {  	[smem:$0x3FB4] =	sst s10  }
0x38: {  	s10 =	sld [smem:$0x3FB5]  }
0x39: {  	_ = 	snop;
	(pc) =	sbr.ind lr, $3  }
0x3a: {  	_ = 	snop  }
0x3b: {  	_ = 	snop  }
0x3c: {  	p2 =	seq.s32 s10, $0x1;
	s10 =	sld [smem:$0x3FB4]  }
0x3d: {  	_ =	shalt  }
0x3e: {  	_ =	shalt  }
0x3f: {  	_ =	shalt  }
0x40: {  	_ =	shalt  }
0x41: {  	_ =	shalt  }
0x42: {  	_ =	shalt  }
0x43: {  	_ =	shalt  }
0x44: {  	_ =	shalt  }
0x45: {  	_ =	shalt  }
0x46: {  	_ =	shalt  }
0x47: {  	_ =	shalt  }
0x48: {  	_ =	shalt  }
0x49: {  	_ =	shalt  }
0x4a: {  	_ =	shalt  }
0x4b: {  	_ =	shalt  }
0x4c: {  	_ =	shalt  }
0x4d: {  	_ =	shalt  }
0x4e: {  	_ =	shalt  }
0x4f: {  	_ =	shalt  }
0x50: {  	_ =	shalt  }
0x51: {  	_ =	shalt  }
0x52: {  	_ =	shalt  }
0x53: {  	_ =	shalt  }
0x54: {  	_ =	shalt  }
0x55: {  	_ =	shalt  }
0x56: {  	_ =	shalt  }
0x57: {  	_ =	shalt  }
0x58: {  	_ =	shalt  }
0x59: {  	_ =	shalt  }
0x5a: {  	_ =	shalt  }
0x5b: {  	_ =	shalt  }
0x5c: {  	_ =	shalt  }
0x5d: {  	_ =	shalt  }
0x5e: {  	_ =	shalt  }
0x5f: {  	_ =	shalt  }
0x60: {  	_ =	shalt  }
0x61: {  	_ =	shalt  }
0x62: {  	_ =	shalt  }
0x63: {  	_ =	shalt  }
0x64: {  	_ =	shalt  }
0x65: {  	_ =	shalt  }
0x66: {  	_ =	shalt  }
0x67: {  	_ =	shalt  }
0x68: {  	_ =	shalt  }
0x69: {  	_ =	shalt  }
0x6a: {  	_ =	shalt  }
0x6b: {  	_ =	shalt  }
0x6c: {  	_ =	shalt  }
0x6d: {  	_ =	shalt  }
0x6e: {  	_ =	shalt  }
0x6f: {  	_ =	shalt  }
0x70: {  	_ =	shalt  }
0x71: {  	_ =	shalt  }
0x72: {  	_ =	shalt  }
0x73: {  	_ =	shalt  }
0x74: {  	_ =	shalt  }
0x75: {  	_ =	shalt  }
0x76: {  	_ =	shalt  }
0x77: {  	_ =	shalt  }
0x78: {  	_ =	shalt  }
0x79: {  	_ =	shalt  }
0x7a: {  	_ =	shalt  }
0x7b: {  	_ =	shalt  }
0x7c: {  	_ =	shalt  }
0x7d: {  	_ =	shalt  }
0x7e: {  	_ =	shalt  }
0x7f: {  	_ =	shalt  }
0x80: {  	_ =	shalt  }
0x81: {  	_ =	shalt  }
0x82: {  	_ =	shalt  }
0x83: {  	_ =	shalt  }
0x84: {  	_ =	shalt  }
0x85: {  	_ =	shalt  }
0x86: {  	_ =	shalt  }
0x87: {  	_ =	shalt  }
.Lfunc_end0:
.L_simem_size_0:
called_computation_lowered:
.L_overlay_start_0:
0x88: {  	s2 =	sld [smem:$0x3FD9]  }
0x89: {  	s3 =	sld [smem:$0x3FFE];
	_ =	sdelay $0x1  }
0x8a: {  	s1 =	srdreg.scid  }
0x8b: {  	s0 =	sand.u32 $0x1, s1  }
0x8c: {  	s18 =	sshll.u32 s0, $0xA;
	s2 =	sadd.s32 s3, s2  }
0x8d: {  	s2 =	sadd.s32 s2, s18  }
0x8e: {  	[smem:$0x3FC0] =	sst s2  }
0x8f: {  	_ = 	snop  }
0x90: {  	s2 =	sld [smem:$0x3FC9]  }
0x91: {  	s19 =	sld [smem:$0x3FC8]  }
0x92: {  	s4 =	sld [smem:$0x3FC7]  }
0x93: {  	s5 =	sld [smem:$0x3FC6]  }
0x94: {  	s6 =	sld [smem:$0x3FC5]  }
0x95: {  	s7 =	sld [smem:$0x3FC4]  }
0x96: {  	s8 =	sld [smem:$0x3FC3]  }
0x97: {  	s9 =	sld [smem:$0x3FC2]  }
0x98: {  	s10 =	sld [smem:$0x3FD0];
	(tm) =	ssettm $0x1  }
0x99: {  	s11 =	sld [smem:$0x3FFB];
	_ =	sdelay $0x3  }
0x9a: {  	_ =	strace s11  }
0x9b: {  	s11 =	sld [smem:$0x3FFC];
	_ =	sdelay $0x3  }
0x9c: {  	_ =	strace s11  }
0x9d: {  	s11 =	sld [smem:$0x3FFD];
	_ =	sdelay $0x3  }
0x9e: {  	_ =	strace s11  }
0x9f: {  	_ =	strace $0x8FFFFFFF  }
0xa0: {  	s20 =	sld [smem:$0x3FDB];
	_ =	sdelay $0x1  }
0xa1: {  	s12 =	simm.s32 $_scs_section_size  }
0xa2: {  	s13 =	simm.s32 $_size__tile_overlayer_lowered;
	s14 =	simm.s32 $_tile_overlayer_lowered  }
0xa3: {  	s23 =	simm.s32 $0x1BFF;
	s22 =	sshll.u32 s14, $0x1;
	s11 =	sadd.s32 s12, s20  }
0xa4: {  	s15 =	simm.s32 $0x0;
	s21 =	sshll.u32 s13, $0x1;
	s13 =	sadd.s32 s22, s11  }
0xa5: {  	[timem:s15], [sflag:s23] =	dma.local [hbm:s13], s21  }
0xa6: {  	_ =	swait.ge [sflag:s23], s21  }
0xa7: {  	s12 =	ssub.s32 $0x0, s21;
	[sflag:s23] =	ssyncset.done $0x0  }
0xa8: {  	[sflag:s23] =	ssyncadd.s32 s12;
	_ =	sdelay $0x1  }
0xa9: {  	s24 =	simm.s32 $0x1B8B  }
0xaa: {  	_ =	swait.ge [sflag:s24], $0x1  }
0xab: {  	[sflag:s24] =	ssyncset.done $0x0  }
0xac: {  	s25 =	simm.s32 $0x1B8E;
	[sflag:s24] =	ssyncadd.s32 $0xFFFFFFFF  }
0xad: {  	s26 =	simm.s32 $execute0_lowered;
	[smem:$0x3FD2] =	sst s25  }
0xae: {  	s12 =	sshll.u32 s26, $0x1;
	_ =	strace $0x80000046;
	[dreg:$0x1] =	wrdreg $0xFFFFFFFF  }
0xaf: {  	s28 =	simm.s32 $_size_execute0_lowered;
	s11 =	sadd.s32 s11, s12;
	[dreg:$0x0] =	wrdreg $0x0  }
0xb0: {  	s12 =	sshll.u32 s28, $0x1;
	[dreg:$0x2] =	wrdreg s11  }
0xb1: {  	[dreg:$0x3] =	wrdreg s12  }
0xb2: {  	[dreg:$0x4] =	wrdreg $0xC0  }
0xb3: {  	_ =	task [dreg:s15], $0x5FFFF  }
0xb4: {  	[dreg:$0x1] =	wrdreg $0xFFFFFFFF  }
0xb5: {  	[dreg:$0x0] =	wrdreg $0x60  }
0xb6: {  	[dreg:$0x2] =	wrdreg s2  }
0xb7: {  	[dreg:$0x3] =	wrdreg s19  }
0xb8: {  	[dreg:$0x4] =	wrdreg s4  }
0xb9: {  	[dreg:$0x5] =	wrdreg s5  }
0xba: {  	[dreg:$0x6] =	wrdreg s6  }
0xbb: {  	[dreg:$0x7] =	wrdreg s7  }
0xbc: {  	[dreg:$0x8] =	wrdreg s8  }
0xbd: {  	[dreg:$0x9] =	wrdreg s9  }
0xbe: {  	[dreg:$0xa] =	wrdreg s10  }
0xbf: {  	[dreg:$0xb] =	wrdreg $0x9  }
0xc0: {  	_ =	task.clear_ibuf [dreg:s15], $0xCFFFF;
	_ =	strace $0x90000046  }
0xc1: {  	s29 =	simm.s32 $0x9;
	_ =	strace $0x80000048  }
0xc2: {  	_ =	swait.ge [sflag:s29], $0x1  }
0xc3: {  	[sflag:s29] =	ssyncadd.s32 $0xFFFFFFFF  }
0xc4: {  	_ =	strace $0x90000048  }
0xc5: {  	_ =	sfence  }
0xc6: {  	s30 =	sld [smem:$0x0];
	_ =	sdelay $0x2  }
0xc7: {  	s31 =	sshll.u32 s1, $0xD;
	s1 =	sshrl.u32 s1, $0x2  }
0xc8: {  	s3 =	sand.u32 $0x4000, s31;
	s1 =	sadd.s32 s1, s30  }
0xc9: {  	s0 =	sor.u32 s3, s0;
	s1 =	sshll.u32 s1, $0x11  }
0xca: {  	s0 =	sor.u32 s1, s0  }
0xcb: {  	s0 =	sadd.s32 $0x8F2B, s0  }
0xcc: {  	[sflag:s0] =	ssyncadd.remote.s32 $0x1  }
0xcd: {  	_ =	sfence.sel $0xFFFF  }
0xce: {  	[dreg:$0x0] =	wrdreg $0xFFFFFFFF;
	(pc) =	sbr.abs _section_cstart, $3  }
0xcf: {  	[dreg:$0x1] =	wrdreg $0xFFFFFFFF  }
0xd0: {  	_ =	task.clear_ibuf [dreg:s15], $0x2FFFF;
	_ =	strace $0x9FFFFFFF  }
0xd1: {  	(tm) =	ssettm $0x7FFFFFFF  }
tec
execute0_lowered:
.L_overlay_start_1:
0x0: {  	(tag) =	ssettag $0x1  }
0x1: {  	s0 =	rddreg [dreg:$0x0]  }
0x2: {  	s1 =	rddreg [dreg:$0x1]  }
0x3: {  	s2 =	rddreg [dreg:$0x2]  }
0x4: {  	s4 =	rddreg [dreg:$0x6]  }
0x5: {  	s5 =	rddreg [dreg:$0x7]  }
0x6: {  	s3 =	rddreg [dreg:$0x8];
	s6 =	srdreg.scid  }
0x7: {  	s7 =	simm.s32 $0x0;
	s10 =	stileid.u32;
	s15 =	simm.s32 $0x1200  }
0x8: {  	s16 =	simm.s32 $0x1600;
	s17 =	simm.s32 $0x1A00;
	s18 =	simm.s32 $0x1  }
0x9: {  	s19 =	simm.s32 $0x80;
	s13 =	simm.s32 $0x2;
	s14 =	simm.s32 $0x3  }
0xa: {  	s20 =	simm.s32 $0x4;
	s21 =	simm.s32 $0x5;
	s22 =	simm.s32 $0x6  }
0xb: {  	s23 =	simm.s32 $0x1E00;
	s24 =	simm.s32 $0x7;
	s6 =	sand.u32 $0x1, s6  }
0xc: {  	s25 =	simm.s32 $0x0;
	[smem:$0x7FF] =	sst s7;
	s8 =	ssub.s32 $0x2, s6  }
0xd: {  	s10 =	sshll.u32 s10, $0x7;
	s6 =	sshll.u32 s6, $0x6;
	s9 =	sshrl.u32 s8, $0x1  }
0xe: {  	_ =	strace $0x80000047;
	s6 =	sor.u32 s6, s10;
	s12 =	ssub.s32 s8, s9  }
0xf: {  	s8 =	sadd.s32 s0, s6;
	s9 =	sadd.s32 s1, s6;
	s10 =	sadd.s32 s2, s6  }
0x10: {  	s11 =	sadd.s32 s3, s6;
	s6 =	simm.s32 $0x780;
	s0 =	simm.s32 $0xB80  }
0x11: {  	s2 =	simm.s32 $0x980;
	s3 =	simm.s32 $0xD80;
	s12 =	smax.u32 s12, $0x1  }
.LBB2_1:
0x12: {  	[tilespmem:s7], [sflag:$0x1] =	stream.linear.gather [hbm4b:s8+s7], $0x200, $0x38;
	[tilespmem:$0x2000] =	vst v63  }
0x13: {  	s1 =	simm.s32 $0x200  }
0x14: {  	[tilespmem:s1], [sflag:$0x1] =	stream.linear.gather [hbm4b:s9+s7], $0x200, $0x38;
	[tilespmem:$0x2000] =	vst v63  }
0x15: {  	s26 =	simm.s32 $0x400  }
0x16: {  	[tilespmem:s26], [sflag:$0x1] =	stream.linear.gather [hbm4b:s10+s7], $0x200, $0x38;
	[tilespmem:$0x2000] =	vst v63  }
0x17: {  	s26 =	rddreg [dreg:$0x3]  }
0x18: {  	[tilespmem:s15], [sflag:$0x2] =	stream.linear.gather [hbm4b:s26+s7], $0x400, $0x38;
	[tilespmem:$0x2000] =	vst v63  }
0x19: {  	s26 =	rddreg [dreg:$0x4]  }
0x1a: {  	[tilespmem:s16], [sflag:$0x2] =	stream.linear.gather [hbm4b:s26+s7], $0x400, $0x38;
	[tilespmem:$0x2000] =	vst v63  }
0x1b: {  	s26 =	rddreg [dreg:$0x5]  }
0x1c: {  	[tilespmem:s17], [sflag:$0x2] =	stream.linear.gather [hbm4b:s26+s7], $0x400, $0x38;
	[tilespmem:$0x2000] =	vst v63  }
0x1d: {  	_ =	swait.ge [sflag:s18], $0x200  }
0x1e: {  	[sflag:s18] =	ssyncset.done $0x0  }
0x1f: {  	[sflag:s18] =	ssyncadd.s32 $0xFFFFFE00  }
0x20: {  	_ =	swait.ge [sflag:s18], $0x200  }
0x21: {  	[sflag:s18] =	ssyncset.done $0x0  }
0x22: {  	[sflag:s18] =	ssyncadd.s32 $0xFFFFFE00  }
0x23: {  	_ =	swait.ge [sflag:s18], $0x200  }
0x24: {  	[sflag:s18] =	ssyncset.done $0x0  }
0x25: {  	[sflag:s18] =	ssyncadd.s32 $0xFFFFFE00  }
0x26: {  	v0 =	vld [tilespmem:$0x0]  }
0x27: {  	v1 =	vld [tilespmem:$0x200]  }
0x28: {  	v2 =	vld [tilespmem:$0x400]  }
0x29: {  	v3 =	vld [tilespmem:$0x10]  }
0x2a: {  	v4 =	vld [tilespmem:$0x210]  }
0x2b: {  	v5 =	vld [tilespmem:$0x410]  }
0x2c: {  	v6 =	vld [tilespmem:$0x20]  }
0x2d: {  	v7 =	vld [tilespmem:$0x220]  }
0x2e: {  	v8 =	vld [tilespmem:$0x420]  }
0x2f: {  	v9 =	vld [tilespmem:$0x30]  }
0x30: {  	v10 =	vld [tilespmem:$0x230]  }
0x31: {  	v11 =	vld [tilespmem:$0x430]  }
0x32: {  	v13 =	vld [tilespmem:$0x40]  }
0x33: {  	v14 =	vld [tilespmem:$0x240];
	v12 =	vmul.u32 $0x3E8, v0  }
0x34: {  	v15 =	vld [tilespmem:$0x440];
	v2 =	vmul.u32 $0x3E8, v2  }
0x35: {  	v59 =	vld [tilespmem:$0x50];
	v57 =	vmul.u32 $0x3E8, v3;
	v1 =	vadd.s32 v1, v12  }
0x36: {  	v62 =	vld [tilespmem:$0x250];
	v58 =	vmul.u32 $0x3E8, v5;
	v0 =	vadd.s32 v0, v2;
	[tilespmem:$0x600] =	vst v1  }
0x37: {  	v16 =	vld [tilespmem:$0x450];
	v61 =	vmul.u32 $0x3E8, v6;
	v60 =	vadd.s32 v4, v57;
	[tilespmem:$0x800] =	vst v0  }
0x38: {  	v19 =	vld [tilespmem:$0x60];
	v18 =	vmul.u32 $0x3E8, v9;
	v63 =	vadd.s32 v3, v58;
	[tilespmem:$0x610] =	vst v60  }
0x39: {  	v22 =	vld [tilespmem:$0x260];
	v21 =	vmul.u32 $0x3E8, v11;
	v17 =	vadd.s32 v7, v61;
	[tilespmem:$0x810] =	vst v63  }
0x3a: {  	v25 =	vld [tilespmem:$0x460];
	v24 =	vmul.u32 $0x3E8, v13;
	v23 =	vadd.s32 v10, v18;
	[tilespmem:$0x620] =	vst v17  }
0x3b: {  	v28 =	vld [tilespmem:$0x70];
	v27 =	vmul.u32 $0x3E8, v15;
	v26 =	vadd.s32 v9, v21;
	[tilespmem:$0x630] =	vst v23  }
0x3c: {  	v31 =	vld [tilespmem:$0x470];
	v30 =	vmul.u32 $0x3E8, v59;
	v29 =	vadd.s32 v14, v24;
	[tilespmem:$0x830] =	vst v26  }
0x3d: {  	v34 =	vld [tilespmem:$0x270];
	v33 =	vmul.u32 $0x3E8, v16;
	v32 =	vadd.s32 v13, v27;
	[tilespmem:$0x640] =	vst v29  }
0x3e: {  	v36 =	vmul.u32 $0x3E8, v19;
	v35 =	vadd.s32 v62, v30;
	[tilespmem:$0x840] =	vst v32  }
0x3f: {  	v38 =	vmul.u32 $0x3E8, v25;
	v37 =	vadd.s32 v59, v33;
	[tilespmem:$0x650] =	vst v35  }
0x40: {  	v40 =	vmul.u32 $0x3E8, v28;
	v39 =	vadd.s32 v22, v36;
	[tilespmem:$0x850] =	vst v37  }
0x41: {  	v42 =	vmul.u32 $0x3E8, v31;
	v41 =	vadd.s32 v19, v38;
	[tilespmem:$0x660] =	vst v39  }
0x42: {  	v12 =	vmul.u32 $0x3E8, v8;
	v43 =	vadd.s32 v34, v40;
	[tilespmem:$0x860] =	vst v41  }
0x43: {  	v44 =	vadd.s32 v28, v42;
	[tilespmem:$0x670] =	vst v43  }
0x44: {  	[tilespmem:$0x870] =	vst v44;
	v20 =	vadd.s32 v6, v12  }
0x45: {  	s1 =	simm.s32 $0x600;
	s26 =	simm.s32 $0xA00;
	[tilespmem:$0x820] =	vst v20  }
0x46: {  	[tilespmem:s26], [sflag:$0x3] =	stream.indirect.gather [hbm4b:s4+s19], $0x1, s1, s19, $0xb8;
	[tilespmem:$0x2000] =	vst v63  }
0x47: {  	s1 =	simm.s32 $0x800;
	s26 =	simm.s32 $0xC00  }
0x48: {  	[tilespmem:s26], [sflag:$0x3] =	stream.indirect.gather [hbm4b:s5+s19], $0x1, s1, s19, $0xb8;
	[tilespmem:$0x2000] =	vst v63  }
0x49: {  	v45 =	vld [tilespmem:$0x80]  }
0x4a: {  	v46 =	vld [tilespmem:$0x280]  }
0x4b: {  	v47 =	vld [tilespmem:$0x480]  }
0x4c: {  	v48 =	vld [tilespmem:$0x90]  }
0x4d: {  	v49 =	vld [tilespmem:$0x290]  }
0x4e: {  	v50 =	vld [tilespmem:$0x490]  }
0x4f: {  	v51 =	vld [tilespmem:$0xA0]  }
0x50: {  	v52 =	vld [tilespmem:$0x2A0]  }
0x51: {  	v53 =	vld [tilespmem:$0x4A0]  }
0x52: {  	v54 =	vld [tilespmem:$0xB0]  }
0x53: {  	v55 =	vld [tilespmem:$0x2B0]  }
0x54: {  	v56 =	vld [tilespmem:$0x4B0]  }
0x55: {  	v58 =	vld [tilespmem:$0xC0];
	v57 =	vmul.u32 $0x3E8, v45  }
0x56: {  	v59 =	vld [tilespmem:$0x2C0];
	v2 =	vmul.u32 $0x3E8, v47  }
0x57: {  	v61 =	vld [tilespmem:$0x4C0];
	v60 =	vmul.u32 $0x3E8, v48;
	v1 =	vadd.s32 v46, v57  }
0x58: {  	v63 =	vld [tilespmem:$0xD0];
	v62 =	vmul.u32 $0x3E8, v50;
	v0 =	vadd.s32 v45, v2;
	[tilespmem:$0x680] =	vst v1  }
0x59: {  	v18 =	vld [tilespmem:$0x2D0];
	v17 =	vmul.u32 $0x3E8, v51;
	v16 =	vadd.s32 v49, v60;
	[tilespmem:$0x880] =	vst v0  }
0x5a: {  	v21 =	vld [tilespmem:$0x4D0];
	v20 =	vmul.u32 $0x3E8, v53;
	v19 =	vadd.s32 v48, v62;
	[tilespmem:$0x690] =	vst v16  }
0x5b: {  	v24 =	vld [tilespmem:$0xE0];
	v23 =	vmul.u32 $0x3E8, v54;
	v22 =	vadd.s32 v52, v17;
	[tilespmem:$0x890] =	vst v19  }
0x5c: {  	v27 =	vld [tilespmem:$0x2E0];
	v26 =	vmul.u32 $0x3E8, v56;
	v25 =	vadd.s32 v51, v20;
	[tilespmem:$0x6A0] =	vst v22  }
0x5d: {  	v30 =	vld [tilespmem:$0x4E0];
	v29 =	vmul.u32 $0x3E8, v58;
	v28 =	vadd.s32 v55, v23;
	[tilespmem:$0x8A0] =	vst v25  }
0x5e: {  	v36 =	vld [tilespmem:$0x4F0];
	v32 =	vmul.u32 $0x3E8, v61;
	v31 =	vadd.s32 v54, v26;
	[tilespmem:$0x6B0] =	vst v28  }
0x5f: {  	v33 =	vld [tilespmem:$0xF0];
	v35 =	vmul.u32 $0x3E8, v63;
	v34 =	vadd.s32 v59, v29;
	[tilespmem:$0x8B0] =	vst v31  }
0x60: {  	v38 =	vmul.u32 $0x3E8, v21;
	v37 =	vadd.s32 v58, v32;
	[tilespmem:$0x6C0] =	vst v34  }
0x61: {  	v39 =	vld [tilespmem:$0x2F0];
	v41 =	vmul.u32 $0x3E8, v24;
	v40 =	vadd.s32 v18, v35;
	[tilespmem:$0x8C0] =	vst v37  }
0x62: {  	v43 =	vmul.u32 $0x3E8, v30;
	v42 =	vadd.s32 v63, v38;
	[tilespmem:$0x6D0] =	vst v40  }
0x63: {  	v47 =	vmul.u32 $0x3E8, v36;
	v44 =	vadd.s32 v27, v41;
	[tilespmem:$0x8D0] =	vst v42  }
0x64: {  	v45 =	vmul.u32 $0x3E8, v33;
	v46 =	vadd.s32 v24, v43;
	[tilespmem:$0x6E0] =	vst v44  }
0x65: {  	v49 =	vadd.s32 v33, v47;
	[tilespmem:$0x8E0] =	vst v46  }
0x66: {  	[tilespmem:$0x8F0] =	vst v49;
	v48 =	vadd.s32 v39, v45  }
0x67: {  	s1 =	simm.s32 $0x680;
	s26 =	simm.s32 $0xA80;
	[tilespmem:$0x6F0] =	vst v48  }
0x68: {  	[tilespmem:s26], [sflag:$0x4] =	stream.indirect.gather [hbm4b:s4+s19], $0x1, s1, s19, $0xb8;
	[tilespmem:$0x2000] =	vst v63  }
0x69: {  	s1 =	simm.s32 $0x880;
	s26 =	simm.s32 $0xC80  }
0x6a: {  	[tilespmem:s26], [sflag:$0x4] =	stream.indirect.gather [hbm4b:s5+s19], $0x1, s1, s19, $0xb8;
	[tilespmem:$0x2000] =	vst v63  }
0x6b: {  	v50 =	vld [tilespmem:$0x100]  }
0x6c: {  	v51 =	vld [tilespmem:$0x300]  }
0x6d: {  	v52 =	vld [tilespmem:$0x500]  }
0x6e: {  	v53 =	vld [tilespmem:$0x110]  }
0x6f: {  	v54 =	vld [tilespmem:$0x310]  }
0x70: {  	v55 =	vld [tilespmem:$0x510]  }
0x71: {  	v56 =	vld [tilespmem:$0x120]  }
0x72: {  	v57 =	vld [tilespmem:$0x320]  }
0x73: {  	v58 =	vld [tilespmem:$0x520]  }
0x74: {  	v59 =	vld [tilespmem:$0x130]  }
0x75: {  	v60 =	vld [tilespmem:$0x330]  }
0x76: {  	v61 =	vld [tilespmem:$0x530]  }
0x77: {  	v63 =	vld [tilespmem:$0x140]  }
0x78: {  	v18 =	vld [tilespmem:$0x340];
	v62 =	vmul.u32 $0x3E8, v50  }
0x79: {  	v20 =	vld [tilespmem:$0x540];
	v2 =	vmul.u32 $0x3E8, v52  }
0x7a: {  	v22 =	vld [tilespmem:$0x150];
	v19 =	vmul.u32 $0x3E8, v53;
	v1 =	vadd.s32 v51, v62  }
0x7b: {  	v25 =	vld [tilespmem:$0x350];
	v21 =	vmul.u32 $0x3E8, v55;
	v0 =	vadd.s32 v50, v2;
	[tilespmem:$0x700] =	vst v1  }
0x7c: {  	v28 =	vld [tilespmem:$0x550];
	v24 =	vmul.u32 $0x3E8, v56;
	v23 =	vadd.s32 v54, v19;
	[tilespmem:$0x900] =	vst v0  }
0x7d: {  	v31 =	vld [tilespmem:$0x160];
	v27 =	vmul.u32 $0x3E8, v58;
	v26 =	vadd.s32 v53, v21;
	[tilespmem:$0x710] =	vst v23  }
0x7e: {  	v34 =	vld [tilespmem:$0x360];
	v30 =	vmul.u32 $0x3E8, v59;
	v29 =	vadd.s32 v57, v24;
	[tilespmem:$0x910] =	vst v26  }
0x7f: {  	v37 =	vld [tilespmem:$0x560];
	v33 =	vmul.u32 $0x3E8, v61;
	v32 =	vadd.s32 v56, v27;
	[tilespmem:$0x720] =	vst v29  }
0x80: {  	v40 =	vld [tilespmem:$0x170];
	v36 =	vmul.u32 $0x3E8, v63;
	v35 =	vadd.s32 v60, v30;
	[tilespmem:$0x920] =	vst v32  }
0x81: {  	v43 =	vld [tilespmem:$0x570];
	v39 =	vmul.u32 $0x3E8, v20;
	v38 =	vadd.s32 v59, v33;
	[tilespmem:$0x730] =	vst v35  }
0x82: {  	v46 =	vld [tilespmem:$0x370];
	v42 =	vmul.u32 $0x3E8, v22;
	v41 =	vadd.s32 v18, v36;
	[tilespmem:$0x930] =	vst v38  }
0x83: {  	v45 =	vmul.u32 $0x3E8, v28;
	v44 =	vadd.s32 v63, v39;
	[tilespmem:$0x740] =	vst v41  }
0x84: {  	v48 =	vmul.u32 $0x3E8, v31;
	v47 =	vadd.s32 v25, v42;
	[tilespmem:$0x940] =	vst v44  }
0x85: {  	v52 =	vmul.u32 $0x3E8, v40;
	v49 =	vadd.s32 v22, v45;
	[tilespmem:$0x750] =	vst v47  }
0x86: {  	v50 =	vmul.u32 $0x3E8, v37;
	v51 =	vadd.s32 v34, v48;
	[tilespmem:$0x950] =	vst v49  }
0x87: {  	v54 =	vmul.u32 $0x3E8, v43;
	v55 =	vadd.s32 v46, v52;
	[tilespmem:$0x760] =	vst v51  }
0x88: {  	[tilespmem:$0x770] =	vst v55;
	v53 =	vadd.s32 v31, v50  }
0x89: {  	v56 =	vadd.s32 v40, v54;
	[tilespmem:$0x960] =	vst v53  }
0x8a: {  	s1 =	simm.s32 $0x700;
	s26 =	simm.s32 $0xB00;
	[tilespmem:$0x970] =	vst v56  }
0x8b: {  	[tilespmem:s26], [sflag:$0x5] =	stream.indirect.gather [hbm4b:s4+s19], $0x1, s1, s19, $0xb8;
	[tilespmem:$0x2000] =	vst v63  }
0x8c: {  	s1 =	simm.s32 $0x900;
	s26 =	simm.s32 $0xD00  }
0x8d: {  	[tilespmem:s26], [sflag:$0x5] =	stream.indirect.gather [hbm4b:s5+s19], $0x1, s1, s19, $0xb8;
	[tilespmem:$0x2000] =	vst v63  }
0x8e: {  	v57 =	vld [tilespmem:$0x180]  }
0x8f: {  	v58 =	vld [tilespmem:$0x380]  }
0x90: {  	v59 =	vld [tilespmem:$0x580]  }
0x91: {  	v60 =	vld [tilespmem:$0x190]  }
0x92: {  	v61 =	vld [tilespmem:$0x390]  }
0x93: {  	v62 =	vld [tilespmem:$0x590]  }
0x94: {  	v63 =	vld [tilespmem:$0x1A0]  }
0x95: {  	v18 =	vld [tilespmem:$0x3A0]  }
0x96: {  	v19 =	vld [tilespmem:$0x5A0]  }
0x97: {  	v20 =	vld [tilespmem:$0x1B0]  }
0x98: {  	v21 =	vld [tilespmem:$0x3B0]  }
0x99: {  	v22 =	vld [tilespmem:$0x5B0]  }
0x9a: {  	v24 =	vld [tilespmem:$0x1C0]  }
0x9b: {  	v25 =	vld [tilespmem:$0x3C0];
	v23 =	vmul.u32 $0x3E8, v57  }
0x9c: {  	v27 =	vld [tilespmem:$0x5C0];
	v2 =	vmul.u32 $0x3E8, v59  }
0x9d: {  	v29 =	vld [tilespmem:$0x1D0];
	v26 =	vmul.u32 $0x3E8, v60;
	v1 =	vadd.s32 v58, v23  }
0x9e: {  	v32 =	vld [tilespmem:$0x3D0];
	v28 =	vmul.u32 $0x3E8, v62;
	v0 =	vadd.s32 v57, v2;
	[tilespmem:$0x780] =	vst v1  }
0x9f: {  	v35 =	vld [tilespmem:$0x5D0];
	v31 =	vmul.u32 $0x3E8, v63;
	v30 =	vadd.s32 v61, v26;
	[tilespmem:$0x980] =	vst v0  }
0xa0: {  	v38 =	vld [tilespmem:$0x1E0];
	v34 =	vmul.u32 $0x3E8, v19;
	v33 =	vadd.s32 v60, v28;
	[tilespmem:$0x790] =	vst v30  }
0xa1: {  	v41 =	vld [tilespmem:$0x3E0];
	v37 =	vmul.u32 $0x3E8, v20;
	v36 =	vadd.s32 v18, v31;
	[tilespmem:$0x990] =	vst v33  }
0xa2: {  	v44 =	vld [tilespmem:$0x5E0];
	v40 =	vmul.u32 $0x3E8, v22;
	v39 =	vadd.s32 v63, v34;
	[tilespmem:$0x7A0] =	vst v36  }
0xa3: {  	v47 =	vld [tilespmem:$0x1F0];
	v43 =	vmul.u32 $0x3E8, v24;
	v42 =	vadd.s32 v21, v37;
	[tilespmem:$0x9A0] =	vst v39  }
0xa4: {  	v50 =	vld [tilespmem:$0x5F0];
	v46 =	vmul.u32 $0x3E8, v27;
	v45 =	vadd.s32 v20, v40;
	[tilespmem:$0x7B0] =	vst v42  }
0xa5: {  	v53 =	vld [tilespmem:$0x3F0];
	v49 =	vmul.u32 $0x3E8, v29;
	v48 =	vadd.s32 v25, v43;
	[tilespmem:$0x9B0] =	vst v45  }
0xa6: {  	v52 =	vmul.u32 $0x3E8, v35;
	v51 =	vadd.s32 v24, v46;
	[tilespmem:$0x7C0] =	vst v48  }
0xa7: {  	v55 =	vmul.u32 $0x3E8, v38;
	v54 =	vadd.s32 v32, v49;
	[tilespmem:$0x9C0] =	vst v51  }
0xa8: {  	v59 =	vmul.u32 $0x3E8, v47;
	v56 =	vadd.s32 v29, v52;
	[tilespmem:$0x7D0] =	vst v54  }
0xa9: {  	v57 =	vmul.u32 $0x3E8, v44;
	v58 =	vadd.s32 v41, v55;
	[tilespmem:$0x9D0] =	vst v56  }
0xaa: {  	v61 =	vmul.u32 $0x3E8, v50;
	v62 =	vadd.s32 v53, v59;
	[tilespmem:$0x7E0] =	vst v58  }
0xab: {  	[tilespmem:$0x7F0] =	vst v62;
	v60 =	vadd.s32 v38, v57  }
0xac: {  	v63 =	vadd.s32 v47, v61;
	[tilespmem:$0x9E0] =	vst v60  }
0xad: {  	[tilespmem:$0x9F0] =	vst v63  }
0xae: {  	[tilespmem:s0], [sflag:$0x6] =	stream.indirect.gather [hbm4b:s4+s19], $0x1, s6, s19, $0xb8;
	[tilespmem:$0x2000] =	vst v63  }
0xaf: {  	_ = 	snop  }
0xb0: {  	[tilespmem:s3], [sflag:$0x6] =	stream.indirect.gather [hbm4b:s5+s19], $0x1, s2, s19, $0xb8;
	[tilespmem:$0x2000] =	vst v63  }
0xb1: {  	_ =	swait.ge [sflag:s13], $0x400  }
0xb2: {  	[sflag:s13] =	ssyncset.done $0x0  }
0xb3: {  	[sflag:s13] =	ssyncadd.s32 $0xFFFFFC00  }
0xb4: {  	_ =	swait.ge [sflag:s13], $0x400  }
0xb5: {  	[sflag:s13] =	ssyncset.done $0x0  }
0xb6: {  	[sflag:s13] =	ssyncadd.s32 $0xFFFFFC00  }
0xb7: {  	s28 =	simm.s32 $0x1010;
	s29 =	simm.s32 $0xE10;
	_ =	swait.ge [sflag:s13], $0x400  }
0xb8: {  	s30 =	simm.s32 $0x410;
	s31 =	simm.s32 $0x210;
	[sflag:s13] =	ssyncset.done $0x0  }
0xb9: {  	s26 =	simm.s32 $0xFFFFFFFE;
	s1 =	simm.s32 $0x10;
	[sflag:s13] =	ssyncadd.s32 $0xFFFFFC00  }
.LBB2_2:
0xba: {  	v0 =	vld [tilespmem:s1+$0xFFFFFFF0]  }
0xbb: {  	v1 =	vld [tilespmem:s30+$0xFFFFFFF0];
	_ =	sdelay $0x6  }
0xbc: {  	v0 =	vld.idx.msk [tilespmem:v0+s15+$0x0], $0xffff  }
0xbd: {  	v1 =	vld.idx.msk [tilespmem:v1+s17+$0x0], $0xffff;
	_ =	sdelay $0x3  }
0xbe: {  	v2 =	vld [tilespmem:s31+$0xFFFFFFF0]  }
0xbf: {  	v3 =	vmul.f32 v1, v0;
	_ =	sdelay $0x1  }
0xc0: {  	(erf) = vrcp.f32 v3;
	_ =	sdelay $0x4  }
0xc1: {  	v2 =	vld.idx.msk [tilespmem:v2+s16+$0x0], $0xffff;
	_ =	sdelay $0x3  }
0xc2: {  	v0 =	vadd.f32 v1, v0;
	v60 =	vpop (erf)  }
0xc3: {  	v1 =	vmul.f32 v60, v2  }
0xc4: {  	[tilespmem:s29+$0xFFFFFFF0] =	vst v0  }
0xc5: {  	[tilespmem:s28+$0xFFFFFFF0] =	vst v1  }
0xc6: {  	v0 =	vld [tilespmem:s1+$0x0]  }
0xc7: {  	v1 =	vld [tilespmem:s30+$0x0];
	_ =	sdelay $0x6  }
0xc8: {  	v0 =	vld.idx.msk [tilespmem:v0+s15+$0x0], $0xffff  }
0xc9: {  	v1 =	vld.idx.msk [tilespmem:v1+s17+$0x0], $0xffff;
	_ =	sdelay $0x3  }
0xca: {  	v61 =	vld [tilespmem:s31+$0x0]  }
0xcb: {  	v62 =	vmul.f32 v1, v0;
	_ =	sdelay $0x1  }
0xcc: {  	(erf) = vrcp.f32 v62;
	_ =	sdelay $0x4  }
0xcd: {  	v2 =	vld.idx.msk [tilespmem:v61+s16+$0x0], $0xffff  }
0xce: {  	s26 =	sadd.s32 $0x2, s26  }
0xcf: {  	p0 =	slt.u32 s26, $0x1E  }
.Ltmp0:
0xd0: {  	_ = 	snop;
	(pc) =	sbr.rel @p0 .LBB2_2-.Ltmp0, $4  }
0xd1: {  	v0 =	vadd.f32 v1, v0;
	v63 =	vpop (erf)  }
0xd2: {  	v1 =	vmul.f32 v63, v2  }
0xd3: {  	s30 =	sadd.s32 $0x20, s30;
	s31 =	sadd.s32 $0x20, s31;
	[tilespmem:s29+$0x0] =	vst v0  }
0xd4: {  	s1 =	sadd.s32 $0x20, s1;
	s29 =	sadd.s32 $0x20, s29;
	[tilespmem:s28+$0x0] =	vst v1;
	s28 =	sadd.s32 $0x20, s28  }
0xd5: {  	_ =	swait.ge [sflag:s14], $0x80  }
0xd6: {  	[sflag:s14] =	ssyncset.done $0x0  }
0xd7: {  	[sflag:s14] =	ssyncadd.s32 $0xFFFFFF80  }
0xd8: {  	_ =	swait.ge [sflag:s14], $0x80  }
0xd9: {  	[sflag:s14] =	ssyncset.done $0x0  }
0xda: {  	[sflag:s14] =	ssyncadd.s32 $0xFFFFFF80  }
0xdb: {  	v0 =	vld [tilespmem:$0xA00]  }
0xdc: {  	v1 =	vld [tilespmem:$0xC00]  }
0xdd: {  	v2 =	vld [tilespmem:$0xE00]  }
0xde: {  	v3 =	vld [tilespmem:$0x1000]  }
0xdf: {  	v4 =	vld [tilespmem:$0xA10]  }
0xe0: {  	v5 =	vld [tilespmem:$0xC10]  }
0xe1: {  	v6 =	vld [tilespmem:$0xE10]  }
0xe2: {  	v7 =	vld [tilespmem:$0x1010]  }
0xe3: {  	v8 =	vld [tilespmem:$0xA20]  }
0xe4: {  	v9 =	vld [tilespmem:$0xC20]  }
0xe5: {  	v10 =	vld [tilespmem:$0xE20]  }
0xe6: {  	v11 =	vld [tilespmem:$0x1020]  }
0xe7: {  	v12 =	vld [tilespmem:$0xA30]  }
0xe8: {  	v13 =	vld [tilespmem:$0xC30]  }
0xe9: {  	v14 =	vld [tilespmem:$0xE30]  }
0xea: {  	v15 =	vld [tilespmem:$0x1030]  }
0xeb: {  	v16 =	vld [tilespmem:$0xA40]  }
0xec: {  	v17 =	vld [tilespmem:$0xC40]  }
0xed: {  	v18 =	vld [tilespmem:$0xE40]  }
0xee: {  	v19 =	vld [tilespmem:$0x1040]  }
0xef: {  	v20 =	vld [tilespmem:$0xA50]  }
0xf0: {  	v21 =	vld [tilespmem:$0xC50]  }
0xf1: {  	v22 =	vld [tilespmem:$0xE50]  }
0xf2: {  	v23 =	vld [tilespmem:$0x1050]  }
0xf3: {  	v24 =	vld [tilespmem:$0xA60]  }
0xf4: {  	v56 =	vld [tilespmem:$0xC60];
	v0 =	vmul.f32 v1, v0  }
0xf5: {  	v57 =	vld [tilespmem:$0xA70];
	v4 =	vmul.f32 v5, v4  }
0xf6: {  	v59 =	vld [tilespmem:$0xC70];
	v58 =	vmul.f32 v9, v8;
	v0 =	vmul.f32 v3, v0  }
0xf7: {  	v61 =	vld [tilespmem:$0x1060];
	v60 =	vmul.f32 v13, v12;
	v4 =	vmul.f32 v7, v4  }
0xf8: {  	v63 =	vmul.f32 v17, v16;
	v16 =	vld [tilespmem:$0x1070];
	v62 =	vmul.f32 v11, v58;
	v0 =	vadd.f32 v0, v2  }
0xf9: {  	v20 =	vmul.f32 v21, v20;
	v21 =	vld [tilespmem:$0xE60];
	v17 =	vmul.f32 v15, v60;
	v4 =	vadd.f32 v4, v6  }
0xfa: {  	v27 =	vld [tilespmem:$0xE70];
	v1 =	vmul.f32 v56, v24;
	v26 =	vmul.f32 v19, v63;
	v25 =	vadd.f32 v62, v10;
	[tilespmem:$0x1E00] =	vst v0  }
0xfb: {  	v5 =	vmul.f32 v59, v57;
	v29 =	vmul.f32 v23, v20;
	v28 =	vadd.f32 v17, v14;
	[tilespmem:$0x1E10] =	vst v4  }
0xfc: {  	v1 =	vmul.f32 v61, v1;
	v30 =	vadd.f32 v26, v18;
	[tilespmem:$0x1E20] =	vst v25  }
0xfd: {  	v31 =	vadd.f32 v29, v22;
	v32 =	vmul.f32 v16, v5;
	[tilespmem:$0x1E30] =	vst v28  }
0xfe: {  	v33 =	vadd.f32 v1, v21;
	[tilespmem:$0x1E40] =	vst v30  }
0xff: {  	[tilespmem:$0x1E50] =	vst v31;
	v34 =	vadd.f32 v32, v27  }
0x100: {  	[tilespmem:$0x1E60] =	vst v33  }
0x101: {  	[tilespmem:$0x1E70] =	vst v34  }
0x102: {  	_ =	swait.ge [sflag:s20], $0x80  }
0x103: {  	[sflag:s20] =	ssyncset.done $0x0  }
0x104: {  	[sflag:s20] =	ssyncadd.s32 $0xFFFFFF80  }
0x105: {  	_ =	swait.ge [sflag:s20], $0x80  }
0x106: {  	[sflag:s20] =	ssyncset.done $0x0  }
0x107: {  	[sflag:s20] =	ssyncadd.s32 $0xFFFFFF80  }
0x108: {  	v35 =	vld [tilespmem:$0xA80]  }
0x109: {  	v36 =	vld [tilespmem:$0xC80]  }
0x10a: {  	v37 =	vld [tilespmem:$0xE80]  }
0x10b: {  	v38 =	vld [tilespmem:$0x1080]  }
0x10c: {  	v39 =	vld [tilespmem:$0xA90]  }
0x10d: {  	v40 =	vld [tilespmem:$0xC90]  }
0x10e: {  	v41 =	vld [tilespmem:$0xE90]  }
0x10f: {  	v42 =	vld [tilespmem:$0x1090]  }
0x110: {  	v43 =	vld [tilespmem:$0xAA0]  }
0x111: {  	v44 =	vld [tilespmem:$0xCA0]  }
0x112: {  	v45 =	vld [tilespmem:$0xEA0]  }
0x113: {  	v46 =	vld [tilespmem:$0x10A0]  }
0x114: {  	v47 =	vld [tilespmem:$0xAB0]  }
0x115: {  	v48 =	vld [tilespmem:$0xCB0]  }
0x116: {  	v49 =	vld [tilespmem:$0xEB0]  }
0x117: {  	v50 =	vld [tilespmem:$0x10B0]  }
0x118: {  	v51 =	vld [tilespmem:$0xAC0]  }
0x119: {  	v52 =	vld [tilespmem:$0xCC0]  }
0x11a: {  	v53 =	vld [tilespmem:$0xEC0]  }
0x11b: {  	v54 =	vld [tilespmem:$0x10C0]  }
0x11c: {  	v55 =	vld [tilespmem:$0xAD0]  }
0x11d: {  	v56 =	vld [tilespmem:$0xCD0]  }
0x11e: {  	v57 =	vld [tilespmem:$0xED0]  }
0x11f: {  	v58 =	vld [tilespmem:$0x10D0]  }
0x120: {  	v59 =	vld [tilespmem:$0xAE0]  }
0x121: {  	v60 =	vld [tilespmem:$0xCE0];
	v0 =	vmul.f32 v36, v35  }
0x122: {  	v61 =	vld [tilespmem:$0xAF0];
	v4 =	vmul.f32 v40, v39  }
0x123: {  	v63 =	vld [tilespmem:$0xCF0];
	v62 =	vmul.f32 v44, v43;
	v0 =	vmul.f32 v38, v0  }
0x124: {  	v25 =	vld [tilespmem:$0x10E0];
	v13 =	vmul.f32 v48, v47;
	v4 =	vmul.f32 v42, v4  }
0x125: {  	v28 =	vld [tilespmem:$0x10F0];
	v27 =	vmul.f32 v52, v51;
	v26 =	vmul.f32 v46, v62;
	v0 =	vadd.f32 v0, v37  }
0x126: {  	v31 =	vld [tilespmem:$0xEE0];
	v30 =	vmul.f32 v56, v55;
	v29 =	vmul.f32 v50, v13;
	v4 =	vadd.f32 v4, v41  }
0x127: {  	v34 =	vld [tilespmem:$0xEF0];
	v1 =	vmul.f32 v60, v59;
	v33 =	vmul.f32 v54, v27;
	v32 =	vadd.f32 v26, v45;
	[tilespmem:$0x1E80] =	vst v0  }
0x128: {  	v5 =	vmul.f32 v63, v61;
	v36 =	vmul.f32 v58, v30;
	v35 =	vadd.f32 v29, v49;
	[tilespmem:$0x1E90] =	vst v4  }
0x129: {  	v1 =	vmul.f32 v25, v1;
	v37 =	vadd.f32 v33, v53;
	[tilespmem:$0x1EA0] =	vst v32  }
0x12a: {  	v39 =	vmul.f32 v28, v5;
	v38 =	vadd.f32 v36, v57;
	[tilespmem:$0x1EB0] =	vst v35  }
0x12b: {  	v40 =	vadd.f32 v1, v31;
	[tilespmem:$0x1EC0] =	vst v37  }
0x12c: {  	v41 =	vadd.f32 v39, v34;
	[tilespmem:$0x1ED0] =	vst v38  }
0x12d: {  	[tilespmem:$0x1EE0] =	vst v40  }
0x12e: {  	[tilespmem:$0x1EF0] =	vst v41  }
0x12f: {  	_ =	swait.ge [sflag:s21], $0x80  }
0x130: {  	[sflag:s21] =	ssyncset.done $0x0  }
0x131: {  	[sflag:s21] =	ssyncadd.s32 $0xFFFFFF80  }
0x132: {  	_ =	swait.ge [sflag:s21], $0x80  }
0x133: {  	[sflag:s21] =	ssyncset.done $0x0  }
0x134: {  	[sflag:s21] =	ssyncadd.s32 $0xFFFFFF80  }
0x135: {  	v42 =	vld [tilespmem:$0xB00]  }
0x136: {  	v43 =	vld [tilespmem:$0xD00]  }
0x137: {  	v44 =	vld [tilespmem:$0xF00]  }
0x138: {  	v45 =	vld [tilespmem:$0x1100]  }
0x139: {  	v46 =	vld [tilespmem:$0xB10]  }
0x13a: {  	v47 =	vld [tilespmem:$0xD10]  }
0x13b: {  	v48 =	vld [tilespmem:$0xF10]  }
0x13c: {  	v49 =	vld [tilespmem:$0x1110]  }
0x13d: {  	v50 =	vld [tilespmem:$0xB20]  }
0x13e: {  	v51 =	vld [tilespmem:$0xD20]  }
0x13f: {  	v52 =	vld [tilespmem:$0xF20]  }
0x140: {  	v53 =	vld [tilespmem:$0x1120]  }
0x141: {  	v54 =	vld [tilespmem:$0xB30]  }
0x142: {  	v55 =	vld [tilespmem:$0xD30]  }
0x143: {  	v56 =	vld [tilespmem:$0xF30]  }
0x144: {  	v57 =	vld [tilespmem:$0x1130]  }
0x145: {  	v58 =	vld [tilespmem:$0xB40]  }
0x146: {  	v59 =	vld [tilespmem:$0xD40]  }
0x147: {  	v61 =	vld [tilespmem:$0x1140]  }
0x148: {  	v62 =	vld [tilespmem:$0xB50]  }
0x149: {  	v63 =	vld [tilespmem:$0xD50]  }
0x14a: {  	v28 =	vld [tilespmem:$0xF50]  }
0x14b: {  	v29 =	vld [tilespmem:$0x1150]  }
0x14c: {  	v30 =	vld [tilespmem:$0xB60]  }
0x14d: {  	v31 =	vld [tilespmem:$0xD60]  }
0x14e: {  	v32 =	vld [tilespmem:$0xB70];
	v0 =	vmul.f32 v43, v42  }
0x14f: {  	v34 =	vld [tilespmem:$0xD70];
	v4 =	vmul.f32 v47, v46  }
0x150: {  	v36 =	vld [tilespmem:$0x1160];
	v33 =	vmul.f32 v51, v50;
	v0 =	vmul.f32 v45, v0  }
0x151: {  	v39 =	vld [tilespmem:$0x1170];
	v35 =	vmul.f32 v55, v54;
	v4 =	vmul.f32 v49, v4  }
0x152: {  	v41 =	vmul.f32 v63, v62;
	v42 =	vld [tilespmem:$0xF60];
	v37 =	vmul.f32 v53, v33;
	v0 =	vadd.f32 v0, v44  }
0x153: {  	v60 =	vld [tilespmem:$0xF40];
	v1 =	vmul.f32 v31, v30;
	v40 =	vmul.f32 v57, v35;
	v4 =	vadd.f32 v4, v48  }
0x154: {  	v38 =	vmul.f32 v59, v58;
	v45 =	vld [tilespmem:$0xF70];
	v47 =	vmul.f32 v29, v41;
	v43 =	vadd.f32 v37, v52;
	[tilespmem:$0x1F00] =	vst v0  }
0x155: {  	v5 =	vmul.f32 v34, v32;
	v1 =	vmul.f32 v36, v1;
	v46 =	vadd.f32 v40, v56;
	[tilespmem:$0x1F10] =	vst v4  }
0x156: {  	v44 =	vmul.f32 v61, v38;
	v49 =	vadd.f32 v47, v28;
	[tilespmem:$0x1F20] =	vst v43  }
0x157: {  	v50 =	vmul.f32 v39, v5;
	v51 =	vadd.f32 v1, v42;
	[tilespmem:$0x1F30] =	vst v46  }
0x158: {  	v48 =	vadd.f32 v44, v60;
	[tilespmem:$0x1F50] =	vst v49  }
0x159: {  	v52 =	vadd.f32 v50, v45;
	[tilespmem:$0x1F60] =	vst v51  }
0x15a: {  	[tilespmem:$0x1F40] =	vst v48  }
0x15b: {  	[tilespmem:$0x1F70] =	vst v52  }
0x15c: {  	_ =	swait.ge [sflag:s22], $0x80  }
0x15d: {  	[sflag:s22] =	ssyncset.done $0x0  }
0x15e: {  	[sflag:s22] =	ssyncadd.s32 $0xFFFFFF80  }
0x15f: {  	_ =	swait.ge [sflag:s22], $0x80  }
0x160: {  	[sflag:s22] =	ssyncset.done $0x0  }
0x161: {  	[sflag:s22] =	ssyncadd.s32 $0xFFFFFF80  }
0x162: {  	v53 =	vld [tilespmem:$0xB80]  }
0x163: {  	v54 =	vld [tilespmem:$0xD80]  }
0x164: {  	v55 =	vld [tilespmem:$0xF80]  }
0x165: {  	v56 =	vld [tilespmem:$0x1180]  }
0x166: {  	v57 =	vld [tilespmem:$0xB90]  }
0x167: {  	v58 =	vld [tilespmem:$0xD90]  }
0x168: {  	v59 =	vld [tilespmem:$0xF90]  }
0x169: {  	v60 =	vld [tilespmem:$0x1190]  }
0x16a: {  	v61 =	vld [tilespmem:$0xBA0]  }
0x16b: {  	v62 =	vld [tilespmem:$0xDA0]  }
0x16c: {  	v63 =	vld [tilespmem:$0xFA0]  }
0x16d: {  	v28 =	vld [tilespmem:$0x11A0]  }
0x16e: {  	v29 =	vld [tilespmem:$0xBB0]  }
0x16f: {  	v30 =	vld [tilespmem:$0xDB0]  }
0x170: {  	v31 =	vld [tilespmem:$0xFB0]  }
0x171: {  	v32 =	vld [tilespmem:$0x11B0]  }
0x172: {  	v33 =	vld [tilespmem:$0xBC0]  }
0x173: {  	v34 =	vld [tilespmem:$0xDC0]  }
0x174: {  	v36 =	vld [tilespmem:$0x11C0]  }
0x175: {  	v37 =	vld [tilespmem:$0xBD0]  }
0x176: {  	v38 =	vld [tilespmem:$0xDD0]  }
0x177: {  	v39 =	vld [tilespmem:$0xFD0]  }
0x178: {  	v40 =	vld [tilespmem:$0x11D0]  }
0x179: {  	v41 =	vld [tilespmem:$0xBE0]  }
0x17a: {  	v42 =	vld [tilespmem:$0xDE0]  }
0x17b: {  	v43 =	vld [tilespmem:$0xBF0];
	v0 =	vmul.f32 v54, v53  }
0x17c: {  	v45 =	vld [tilespmem:$0xDF0];
	v4 =	vmul.f32 v58, v57  }
0x17d: {  	v47 =	vld [tilespmem:$0x11E0];
	v44 =	vmul.f32 v62, v61;
	v0 =	vmul.f32 v56, v0  }
0x17e: {  	v50 =	vld [tilespmem:$0x11F0];
	v46 =	vmul.f32 v30, v29;
	v4 =	vmul.f32 v60, v4  }
0x17f: {  	v52 =	vmul.f32 v38, v37;
	v53 =	vld [tilespmem:$0xFE0];
	v48 =	vmul.f32 v28, v44;
	v0 =	vadd.f32 v0, v55  }
0x180: {  	v35 =	vld [tilespmem:$0xFC0];
	v1 =	vmul.f32 v42, v41;
	v51 =	vmul.f32 v32, v46;
	v4 =	vadd.f32 v4, v59  }
0x181: {  	v49 =	vmul.f32 v34, v33;
	v56 =	vld [tilespmem:$0xFF0];
	v58 =	vmul.f32 v40, v52;
	v54 =	vadd.f32 v48, v63;
	[tilespmem:$0x1F80] =	vst v0  }
0x182: {  	v5 =	vmul.f32 v45, v43;
	v1 =	vmul.f32 v47, v1;
	v57 =	vadd.f32 v51, v31;
	[tilespmem:$0x1F90] =	vst v4  }
0x183: {  	v55 =	vmul.f32 v36, v49;
	v60 =	vadd.f32 v58, v39;
	[tilespmem:$0x1FA0] =	vst v54  }
0x184: {  	v61 =	vmul.f32 v50, v5;
	v62 =	vadd.f32 v1, v53;
	[tilespmem:$0x1FB0] =	vst v57  }
0x185: {  	v59 =	vadd.f32 v55, v35;
	[tilespmem:$0x1FD0] =	vst v60  }
0x186: {  	s25 =	sadd.s32 $0x1, s25;
	v63 =	vadd.f32 v61, v56;
	[tilespmem:$0x1FE0] =	vst v62  }
0x187: {  	p0 =	sne.s32 s25, s12;
	[tilespmem:$0x1FC0] =	vst v59  }
.Ltmp1:
0x188: {  	[tilespmem:$0x1FF0] =	vst v63;
	(pc) =	sbr.rel @p0 .LBB2_1-.Ltmp1, $4  }
0x189: {  	[hbm4b:s11+s7] =	stream.linear.scatter [tilespmem:s23], [sflag:$0x7], $0x200, $0x38;
	[tilespmem:$0x2000] =	vst v63  }
0x18a: {  	_ =	swait.ge [sflag:s24], $0x200  }
0x18b: {  	[sflag:s24] =	ssyncset.done $0x0  }
0x18c: {  	[sflag:s24] =	ssyncadd.s32 $0xFFFFFE00  }
0x18d: {  	_ =	sfence.sel $0x180000  }
0x18e: {  	[bflag:$0x0] =	sbarrier.arrive $0xFFFF  }
0x18f: {  	_ =	strace $0x90000047  }
0x190: {  	s0 =	stileid.u32;
	[bflag:$0x2] =	sbarrier.arrive $0xFFFF  }
0x191: {  	p0 =	sne.s32 s0, $0x0;
	s0 =	rddreg [dreg:$0x9]  }
0x192: {  	s0 =	sadd.s32 @!p0 $0x100000, s0  }
0x193: {  	[sflag:s0] =	ssyncadd.tile.s32 @!p0 $0x1;
	_ =	shalt  }
.Lfunc_end2:
_tile_overlayer_lowered:
.L_overlay_start_2:
0x194: {  	(tag) =	ssettag $0x2  }
0x195: {  	s0 =	rddreg [dreg:$0x0];
	s2 =	stileid.u32  }
0x196: {  	s1 =	rddreg [dreg:$0x1];
	p0 =	sne.s32 s2, $0x0  }
0x197: {  	s3 =	rddreg [dreg:$0x2];
	[bflag:$0x3] =	sbarrier.arrive $0xFFFF;
	s2 =	simm.s32 @!p0 $0x1C07  }
0x198: {  	[timem:s3], [sflag:s2] =	dma.local @!p0 [hbm:s0], s1  }
0x199: {  	s0 =	simm.s32 @!p0 $0x7  }
0x19a: {  	_ =	swait.ge @!p0 [sflag:s0], s1  }
0x19b: {  	s1 =	ssub.s32 @!p0 $0x0, s1;
	[sflag:s0] =	ssyncset.done @!p0 $0x0  }
0x19c: {  	[sflag:s0] =	ssyncadd.s32 @!p0 s1  }
0x19d: {  	[bflag:$0x3] =	sbarrier.arrive $0xFFFF  }
0x19e: {  	_ =	shalt  }

</sc_bundles>
